<compile_context>
chip_gen: v7x
topology: tpu7x:2x2x1
jax: 0.10.2.dev20260603
libtpu: 0.0.44.dev20260713+nightly
codegen_flags: <defaults>
</compile_context>

<pallas_src>
import functools

import jax
import jax.numpy as jnp
from jax import lax
from jax.experimental import pallas as pl
from jax.experimental.pallas import tpu as pltpu
from jax.experimental.pallas import tpu_sc as plsc

N = 10000
E = 5000
IN = 128
H = 8
C = 16
HC = H * C
WID = HC + 16
NEG_SLOPE = 0.2

NPAD = 10048
EPAD = 5120
NC = 2
NS = 16
NW = NC * NS
K = 128
NB = 79
TOT = NW * NB * K


def _leaky_relu(x):
    return jnp.where(x >= 0, x, NEG_SLOPE * x)



def _s1_body(x_ref, w_ref, o_ref):
    mm = lax.dot_general(x_ref[...], w_ref[...],
                         (((1,), (1,)), ((), ())),
                         preferred_element_type=jnp.float32)
    col = lax.broadcasted_iota(jnp.int32, (mm.shape[0], 16), 1)
    pad = jnp.where(col == 0, 1.0, 0.0).astype(jnp.float32)
    o_ref[...] = jnp.concatenate([mm, pad], axis=1)


def _stage1(xp, w):
    blk = 1256
    grid = NPAD // blk
    return pl.pallas_call(
        _s1_body,
        grid=(grid,),
        in_specs=[
            pl.BlockSpec((blk, IN), lambda i: (i, 0)),
            pl.BlockSpec((HC, IN), lambda i: (0, 0)),
        ],
        out_specs=pl.BlockSpec((blk, WID), lambda i: (i, 0)),
        out_shape=jax.ShapeDtypeStruct((NPAD, WID), jnp.float32),
    )(xp, w)



def _make_sc_pass(rows_acc=NPAD):
    rpt = rows_acc // NS
    mesh = plsc.VectorSubcoreMesh(core_axis_name="c", subcore_axis_name="s")

    @functools.partial(
        pl.kernel,
        out_type=jax.ShapeDtypeStruct((NC, rows_acc, WID), jnp.float32),
        mesh=mesh,
        scratch_types=[
            pltpu.VMEM((2, K), jnp.int32),
            pltpu.VMEM((K, WID), jnp.float32),
            pltpu.VMEM_SHARED((rows_acc, WID), jnp.float32),
            pltpu.SemaphoreType.DMA,
        ],
        compiler_params=pltpu.CompilerParams(use_tc_tiling_on_sc=False),
    )
    def sc_pass(table_hbm, midx_hbm, zeros_hbm, out_hbm,
                idx_v, rows_v, acc_sh, sem):
        cid = lax.axis_index("c")
        sid = lax.axis_index("s")
        wid = cid * NS + sid
        pltpu.sync_copy(zeros_hbm.at[pl.ds(0, rpt)],
                        acc_sh.at[pl.ds(sid * rpt, rpt)])
        plsc.subcore_barrier()

        def body(b, carry):
            pltpu.sync_copy(midx_hbm.at[wid, b], idx_v)
            pltpu.async_copy(table_hbm.at[idx_v.at[0]], rows_v, sem).wait()
            pltpu.sync_copy(rows_v, acc_sh.at[idx_v.at[1]], add=True)
            return carry

        lax.fori_loop(0, NB, body, 0)
        plsc.subcore_barrier()
        pltpu.sync_copy(acc_sh.at[pl.ds(sid * rpt, rpt)],
                        out_hbm.at[cid, pl.ds(sid * rpt, rpt)])

    return sc_pass



def _s3_body(se_ref, a_ref, b_ref, o_ref):
    s = se_ref[0] + se_ref[1]
    cnt = jnp.maximum(s[:, HC:HC + 1], 1.0)
    xe = s[:, :HC] / cnt
    wbig = jnp.exp(_leaky_relu(jnp.dot(xe, b_ref[...],
                                       preferred_element_type=jnp.float32)))
    w8 = jnp.exp(_leaky_relu(jnp.dot(xe, a_ref[...],
                                     preferred_element_type=jnp.float32)))
    z8 = jnp.zeros((s.shape[0], 8), jnp.float32)
    o_ref[...] = jnp.concatenate([xe * wbig, w8, z8], axis=1)


def _stage3(se, a_mat, b_mat):
    blk = 640
    grid = EPAD // blk
    return pl.pallas_call(
        _s3_body,
        grid=(grid,),
        in_specs=[
            pl.BlockSpec((NC, blk, WID), lambda i: (0, i, 0)),
            pl.BlockSpec((HC, H), lambda i: (0, 0)),
            pl.BlockSpec((HC, HC), lambda i: (0, 0)),
        ],
        out_specs=pl.BlockSpec((blk, WID), lambda i: (i, 0)),
        out_shape=jax.ShapeDtypeStruct((EPAD, WID), jnp.float32),
    )(se, a_mat, b_mat)



def _s5_body(xv_ref, s8_ref, o_ref):
    s = xv_ref[0] + xv_ref[1]
    numer = s[:, :HC]
    den8 = s[:, HC:HC + H]
    dbig = jnp.dot(den8, s8_ref[...], preferred_element_type=jnp.float32)
    out = numer / (dbig + 1e-16)
    nrm = jnp.sqrt(jnp.sum(out * out, axis=1, keepdims=True))
    o_ref[...] = jnp.where(nrm > 0, out / nrm, 0.0)


def _stage5(xv, s8):
    blk = 400
    grid = N // blk
    return pl.pallas_call(
        _s5_body,
        grid=(grid,),
        in_specs=[
            pl.BlockSpec((NC, blk, WID), lambda i: (0, i, 0)),
            pl.BlockSpec((H, HC), lambda i: (0, 0)),
        ],
        out_specs=pl.BlockSpec((blk, HC), lambda i: (i, 0)),
        out_shape=jax.ShapeDtypeStruct((N, HC), jnp.float32),
    )(xv, s8)



def kernel(X, W, att_e, vertex, edges):
    nnz = vertex.shape[0]
    pad = TOT - nnz
    v = jnp.concatenate([vertex.astype(jnp.int32),
                         jnp.full((pad,), NPAD - 1, jnp.int32)])
    e = jnp.concatenate([edges.astype(jnp.int32),
                         jnp.full((pad,), EPAD - 1, jnp.int32)])
    v3 = v.reshape(NW, NB, K)
    e3 = e.reshape(NW, NB, K)
    m_ve = jnp.stack([v3, e3], axis=2)
    m_ev = jnp.stack([e3, v3], axis=2)

    flat = att_e.reshape(-1).astype(jnp.float32)
    ii = jnp.arange(HC)[:, None]
    b_mat = jnp.where((ii // C) == (jnp.arange(HC)[None, :] // C),
                      flat[:, None], 0.0)
    a_mat = jnp.where((ii // C) == jnp.arange(H)[None, :], flat[:, None], 0.0)
    s8 = jnp.where(jnp.arange(H)[:, None] == (jnp.arange(HC)[None, :] // C),
                   1.0, 0.0).astype(jnp.float32)

    zeros = jnp.zeros((NPAD // NS, WID), jnp.float32)

    xp = jnp.pad(X.astype(jnp.float32), ((0, NPAD - N), (0, 0)))
    x0p = _stage1(xp, W.astype(jnp.float32))
    se = _make_sc_pass(EPAD)(x0p, m_ve, zeros)
    g = _stage3(se, a_mat, b_mat)
    xv = _make_sc_pass(NPAD)(g, m_ev, zeros)
    return _stage5(xv, s8)

# --- scband reference (transcript-rebuilt; emitter-appended) ---
"""Pipeline reference for scband-uni-gatconv-2594160246976 (READ-ONLY COPY).

The authoritative reference and input builder live on the scoring server;
editing this copy changes nothing except your own understanding.
"""

import jax, jax.numpy as jnp
import numpy as np

N = 10000      # num nodes
NNZ = 320000   # num incidence pairs (vertex, edge)
E = 5000       # num hyperedges
IN = 128       # in_channels
H = 8          # heads
C = 16         # out_channels per head
NEG_SLOPE = 0.2


def setup_inputs(seed: int = 0) -> dict:
    key = jax.random.key(seed)
    k1, k2, k3, k4, k5 = jax.random.split(key, 5)
    X = jax.random.normal(k1, (N, IN), dtype=jnp.float32)
    vertex = jax.random.randint(k2, (NNZ,), 0, N)
    edges = jax.random.randint(k3, (NNZ,), 0, E)
    # nn.Linear(IN, H*C, bias=False) weight [H*C, IN]
    bound = 1.0 / np.sqrt(IN)
    W = jax.random.uniform(k4, (H * C, IN), minval=-bound, maxval=bound, dtype=jnp.float32)
    # glorot for att_e [1, H, C]: stdv = sqrt(6/(H+C))
    stdv = float(np.sqrt(6.0 / (H + C)))
    att_e = jax.random.uniform(k5, (1, H, C), minval=-stdv, maxval=stdv, dtype=jnp.float32)
    return {"X": X, "W": W, "att_e": att_e, "vertex": vertex, "edges": edges}


def reference(X, W, att_e, vertex, edges):
    n = X.shape[0]
    X0 = X @ W.T                      # [N, H*C]
    Xr = X0.reshape(n, H, C)          # [N, H, C]
    Xve = Xr[vertex]                  # [NNZ, H, C] gather
    # scatter-mean over hyperedges (first_aggregate='mean')
    sums = jax.ops.segment_sum(Xve, edges, num_segments=E)
    cnt = jax.ops.segment_sum(jnp.ones((Xve.shape[0],), dtype=X.dtype), edges, num_segments=E)
    Xe = sums / jnp.clip(cnt, 1.0)[:, None, None]          # [E, H, C]
    alpha_e = (Xe * att_e).sum(-1)                          # [E, H]
    a_ev = alpha_e[edges]                                   # [NNZ, H]
    alpha = jax.nn.leaky_relu(a_ev, negative_slope=NEG_SLOPE)
    # softmax grouped by vertex (num_nodes=n)
    seg_max = jax.ops.segment_max(alpha, vertex, num_segments=n)  # [N, H]
    alpha = jnp.exp(alpha - seg_max[vertex])
    denom = jax.ops.segment_sum(alpha, vertex, num_segments=n)
    alpha = alpha / (denom[vertex] + 1e-16)                 # [NNZ, H]
    # dropout p=0.0 -> identity
    Xev = Xe[edges] * alpha[..., None]                      # [NNZ, H, C]
    Xv = jax.ops.segment_sum(Xev, vertex, num_segments=n)   # [N, H, C]
    out = Xv.reshape(n, H * C)
    # use_norm=True: row l2-normalize with detached norm
    rownorm = jax.lax.stop_gradient(jnp.linalg.norm(out, axis=1, keepdims=True))
    scale = jnp.where(rownorm > 0, 1.0 / rownorm, 0.0)
    out = out * scale
    # skip_sum=False
    return out

if __name__ == "__main__":
    import jax
    _d = setup_inputs()
    print(jax.jit(kernel)(*tuple(_d.values())))

</pallas_src>

<mosaic_0001>
#map = affine_map<(d0, d1) -> (0, 0)>
#map1 = affine_map<(d0, d1) -> (0, 0, 0, 0)>
#map2 = affine_map<(d0, d1) -> (0, 0, 0)>
module attributes {stable_mosaic.version = 14 : i64} {
  func.func @sc_pass(%arg0: i32, %arg1: i32, %arg2: memref<5120x144xf32, #tpu.memory_space<hbm>>, %arg3: memref<32x79x2x128xi32, #tpu.memory_space<hbm>>, %arg4: memref<628x144xf32, #tpu.memory_space<hbm>>, %arg5: memref<2x10048x144xf32, #tpu.memory_space<hbm>>, %arg6: memref<2x128xi32, #tpu.memory_space<vmem>>, %arg7: memref<128x144xf32, #tpu.memory_space<vmem>>, %arg8: memref<10048x144xf32, #tpu.memory_space<vmem_shared>>, %arg9: memref<!tpu.dma_semaphore, #tpu.memory_space<semaphore_mem>>) attributes {dimension_semantics = [#tpu.dimension_semantics<core_parallel>, #tpu.dimension_semantics<subcore_parallel>], iteration_bounds = array<i64: 2, 16>, scalar_prefetch = 0 : i64, scratch_operands = 4 : i64, tpu.core_type = #tpu.core_type<sc_vector_subcore>, window_params = [{transform_indices = #map}, {transform_indices = #map1}, {transform_indices = #map}, {transform_indices = #map2}]} {
    %mul3A = arith.constant 16 : i32
    %mul3A_0 = arith.muli %arg0, %mul3A : i32
    %add3A = arith.addi %mul3A_0, %arg1 : i32
    %mul3A_1 = arith.constant 628 : i32
    %mul3A_2 = arith.muli %arg1, %mul3A_1 : i32
    "tpu.region"() ({
      %run_scoped3A = tpu.sem_alloc : memref<!tpu.dma_semaphore, #tpu.memory_space<semaphore_mem>>
      %dma_start3A = arith.constant 0 : i32
      %dma_start3A_13 = tpu.memref_slice %arg8[%mul3A_2, %dma_start3A] : memref<10048x144xf32, #tpu.memory_space<vmem_shared>> -> memref<628x144xf32, #tpu.memory_space<vmem_shared>>
      %dma_start3A_14 = arith.constant 0 : i32
      %dma_start3A_15 = arith.constant 0 : i32
      %dma_start3A_16 = tpu.memref_slice %arg4[%dma_start3A_14, %dma_start3A_15] : memref<628x144xf32, #tpu.memory_space<hbm>> -> memref<628x144xf32, #tpu.memory_space<hbm>>
      tpu.enqueue_dma source(%dma_start3A_16 : memref<628x144xf32, #tpu.memory_space<hbm>>) target(%dma_start3A_13 : memref<628x144xf32, #tpu.memory_space<vmem_shared>>) target_semaphore(%run_scoped3A : memref<!tpu.dma_semaphore, #tpu.memory_space<semaphore_mem>>)
      %dma_wait3A = arith.constant 0 : i32
      %dma_wait3A_17 = tpu.memref_slice %arg8[%mul3A_2, %dma_wait3A] : memref<10048x144xf32, #tpu.memory_space<vmem_shared>> -> memref<628x144xf32, #tpu.memory_space<vmem_shared>>
      %dma_wait3A_18 = arith.constant 0 : i32
      %dma_wait3A_19 = arith.constant 0 : i32
      %dma_wait3A_20 = tpu.memref_slice %arg4[%dma_wait3A_18, %dma_wait3A_19] : memref<628x144xf32, #tpu.memory_space<hbm>> -> memref<628x144xf32, #tpu.memory_space<hbm>>
      tpu.wait_dma2 semaphore(%run_scoped3A : memref<!tpu.dma_semaphore, #tpu.memory_space<semaphore_mem>>) src(%dma_wait3A_20 : memref<628x144xf32, #tpu.memory_space<hbm>>) dst(%dma_wait3A_17 : memref<628x144xf32, #tpu.memory_space<vmem_shared>>)
      tpu.yield
    }) : () -> ()
    %barrier3A = arith.constant 0 : index
    tpu.barrier barrier_id(%barrier3A)
    %scan3A = arith.constant 0 : i32
    %scan3A_3 = arith.constant 0 : i32
    %scan3A_4 = arith.constant 79 : i32
    %scan3A_5 = arith.addi %scan3A_3, %scan3A_4 : i32
    %scan3A_6 = arith.constant 1 : i32
    scf.for %scan3A_13 = %scan3A_3 to %scan3A_5 step %scan3A_6  : i32 {
      "tpu.region"() ({
        %run_scoped3A_26 = tpu.sem_alloc : memref<!tpu.dma_semaphore, #tpu.memory_space<semaphore_mem>>
        %dma_start3A_27 = arith.constant 0 : i32
        %dma_start3A_28 = arith.constant 0 : i32
        %dma_start3A_29 = tpu.memref_slice %arg3[%add3A, %scan3A_13, %dma_start3A_27, %dma_start3A_28] : memref<32x79x2x128xi32, #tpu.memory_space<hbm>> -> memref<1x1x2x128xi32, #tpu.memory_space<hbm>>
        %dma_start3A_30 = tpu.memref_squeeze %dma_start3A_29 : memref<1x1x2x128xi32, #tpu.memory_space<hbm>> -> memref<2x128xi32, #tpu.memory_space<hbm>>
        %dma_start3A_31 = arith.constant 0 : i32
        %dma_start3A_32 = arith.constant 0 : i32
        %dma_start3A_33 = tpu.memref_slice %arg3[%add3A, %scan3A_13, %dma_start3A_31, %dma_start3A_32] : memref<32x79x2x128xi32, #tpu.memory_space<hbm>> -> memref<1x1x2x128xi32, #tpu.memory_space<hbm>>
        %dma_start3A_34 = tpu.memref_squeeze %dma_start3A_33 : memref<1x1x2x128xi32, #tpu.memory_space<hbm>> -> memref<2x128xi32, #tpu.memory_space<hbm>>
        tpu.enqueue_dma source(%dma_start3A_34 : memref<2x128xi32, #tpu.memory_space<hbm>>) target(%arg6 : memref<2x128xi32, #tpu.memory_space<vmem>>) target_semaphore(%run_scoped3A_26 : memref<!tpu.dma_semaphore, #tpu.memory_space<semaphore_mem>>)
        %dma_wait3A_35 = arith.constant 0 : i32
        %dma_wait3A_36 = arith.constant 0 : i32
        %dma_wait3A_37 = tpu.memref_slice %arg3[%add3A, %scan3A_13, %dma_wait3A_35, %dma_wait3A_36] : memref<32x79x2x128xi32, #tpu.memory_space<hbm>> -> memref<1x1x2x128xi32, #tpu.memory_space<hbm>>
        %dma_wait3A_38 = tpu.memref_squeeze %dma_wait3A_37 : memref<1x1x2x128xi32, #tpu.memory_space<hbm>> -> memref<2x128xi32, #tpu.memory_space<hbm>>
        %dma_wait3A_39 = arith.constant 0 : i32
        %dma_wait3A_40 = arith.constant 0 : i32
        %dma_wait3A_41 = tpu.memref_slice %arg3[%add3A, %scan3A_13, %dma_wait3A_39, %dma_wait3A_40] : memref<32x79x2x128xi32, #tpu.memory_space<hbm>> -> memref<1x1x2x128xi32, #tpu.memory_space<hbm>>
        %dma_wait3A_42 = tpu.memref_squeeze %dma_wait3A_41 : memref<1x1x2x128xi32, #tpu.memory_space<hbm>> -> memref<2x128xi32, #tpu.memory_space<hbm>>
        tpu.wait_dma2 semaphore(%run_scoped3A_26 : memref<!tpu.dma_semaphore, #tpu.memory_space<semaphore_mem>>) src(%dma_wait3A_42 : memref<2x128xi32, #tpu.memory_space<hbm>>) dst(%arg6 : memref<2x128xi32, #tpu.memory_space<vmem>>)
        tpu.yield
      }) : () -> ()
      %dma_start3A = arith.constant 0 : i32
      %dma_start3A_14 = arith.constant 0 : i32
      %dma_start3A_15 = tpu.memref_slice %arg6[%dma_start3A, %dma_start3A_14] : memref<2x128xi32, #tpu.memory_space<vmem>> -> memref<1x128xi32, #tpu.memory_space<vmem>>
      %dma_start3A_16 = tpu.memref_squeeze %dma_start3A_15 : memref<1x128xi32, #tpu.memory_space<vmem>> -> memref<128xi32, #tpu.memory_space<vmem>>
      %dma_start3A_17 = arith.constant 0 : i32
      %dma_start3A_18 = arith.constant 0 : i32
      %dma_start3A_19 = tpu.memref_slice %arg2[%dma_start3A_17, %dma_start3A_18] : memref<5120x144xf32, #tpu.memory_space<hbm>> -> memref<5120x144xf32, #tpu.memory_space<hbm>>
      tpu.enqueue_indirect_dma source(%dma_start3A_19 : memref<5120x144xf32, #tpu.memory_space<hbm>>) target(%arg7 : memref<128x144xf32, #tpu.memory_space<vmem>>) offsets(%dma_start3A_16 : memref<128xi32, #tpu.memory_space<vmem>>) semaphore(%arg9 : memref<!tpu.dma_semaphore, #tpu.memory_space<semaphore_mem>>)
      %dma_wait3A = arith.constant 0 : i32
      %dma_wait3A_20 = arith.constant 0 : i32
      %dma_wait3A_21 = tpu.memref_slice %arg6[%dma_wait3A, %dma_wait3A_20] : memref<2x128xi32, #tpu.memory_space<vmem>> -> memref<1x128xi32, #tpu.memory_space<vmem>>
      %dma_wait3A_22 = tpu.memref_squeeze %dma_wait3A_21 : memref<1x128xi32, #tpu.memory_space<vmem>> -> memref<128xi32, #tpu.memory_space<vmem>>
      %dma_wait3A_23 = arith.constant 0 : i32
      %dma_wait3A_24 = arith.constant 0 : i32
      %dma_wait3A_25 = tpu.memref_slice %arg2[%dma_wait3A_23, %dma_wait3A_24] : memref<5120x144xf32, #tpu.memory_space<hbm>> -> memref<5120x144xf32, #tpu.memory_space<hbm>>
      tpu.wait_indirect_dma semaphore(%arg9 : memref<!tpu.dma_semaphore, #tpu.memory_space<semaphore_mem>>) src(%dma_wait3A_25 : memref<5120x144xf32, #tpu.memory_space<hbm>>) dst(%arg7 : memref<128x144xf32, #tpu.memory_space<vmem>>)
      %run_scoped3A = arith.constant 1 : i32
      "tpu.region"() ({
        %run_scoped3A_26 = tpu.sem_alloc : memref<!tpu.dma_semaphore, #tpu.memory_space<semaphore_mem>>
        %dma_start3A_27 = arith.constant 0 : i32
        %dma_start3A_28 = tpu.memref_slice %arg6[%run_scoped3A, %dma_start3A_27] : memref<2x128xi32, #tpu.memory_space<vmem>> -> memref<1x128xi32, #tpu.memory_space<vmem>>
        %dma_start3A_29 = tpu.memref_squeeze %dma_start3A_28 : memref<1x128xi32, #tpu.memory_space<vmem>> -> memref<128xi32, #tpu.memory_space<vmem>>
        %dma_start3A_30 = arith.constant 0 : i32
        %dma_start3A_31 = arith.constant 0 : i32
        %dma_start3A_32 = tpu.memref_slice %arg8[%dma_start3A_30, %dma_start3A_31] : memref<10048x144xf32, #tpu.memory_space<vmem_shared>> -> memref<10048x144xf32, #tpu.memory_space<vmem_shared>>
        tpu.enqueue_indirect_dma source(%arg7 : memref<128x144xf32, #tpu.memory_space<vmem>>) target(%dma_start3A_32 : memref<10048x144xf32, #tpu.memory_space<vmem_shared>>) offsets(%dma_start3A_29 : memref<128xi32, #tpu.memory_space<vmem>>) semaphore(%run_scoped3A_26 : memref<!tpu.dma_semaphore, #tpu.memory_space<semaphore_mem>>) {add = true}
        %dma_wait3A_33 = arith.constant 0 : i32
        %dma_wait3A_34 = tpu.memref_slice %arg6[%run_scoped3A, %dma_wait3A_33] : memref<2x128xi32, #tpu.memory_space<vmem>> -> memref<1x128xi32, #tpu.memory_space<vmem>>
        %dma_wait3A_35 = tpu.memref_squeeze %dma_wait3A_34 : memref<1x128xi32, #tpu.memory_space<vmem>> -> memref<128xi32, #tpu.memory_space<vmem>>
        %dma_wait3A_36 = arith.constant 0 : i32
        %dma_wait3A_37 = arith.constant 0 : i32
        %dma_wait3A_38 = tpu.memref_slice %arg8[%dma_wait3A_36, %dma_wait3A_37] : memref<10048x144xf32, #tpu.memory_space<vmem_shared>> -> memref<10048x144xf32, #tpu.memory_space<vmem_shared>>
        tpu.wait_indirect_dma semaphore(%run_scoped3A_26 : memref<!tpu.dma_semaphore, #tpu.memory_space<semaphore_mem>>) src(%arg7 : memref<128x144xf32, #tpu.memory_space<vmem>>) dst(%dma_wait3A_38 : memref<10048x144xf32, #tpu.memory_space<vmem_shared>>)
        tpu.yield
      }) : () -> ()
    }
    %scan3A_7 = arith.constant 79 : i32
    %barrier3A_8 = arith.constant 0 : index
    tpu.barrier barrier_id(%barrier3A_8)
    %mul3A_9 = arith.constant 628 : i32
    %mul3A_10 = arith.muli %arg1, %mul3A_9 : i32
    %mul3A_11 = arith.constant 628 : i32
    %mul3A_12 = arith.muli %arg1, %mul3A_11 : i32
    "tpu.region"() ({
      %run_scoped3A = tpu.sem_alloc : memref<!tpu.dma_semaphore, #tpu.memory_space<semaphore_mem>>
      %dma_start3A = arith.constant 0 : i32
      %dma_start3A_13 = tpu.memref_slice %arg5[%arg0, %mul3A_12, %dma_start3A] : memref<2x10048x144xf32, #tpu.memory_space<hbm>> -> memref<1x628x144xf32, #tpu.memory_space<hbm>>
      %dma_start3A_14 = tpu.memref_squeeze %dma_start3A_13 : memref<1x628x144xf32, #tpu.memory_space<hbm>> -> memref<628x144xf32, #tpu.memory_space<hbm>>
      %dma_start3A_15 = arith.constant 0 : i32
      %dma_start3A_16 = tpu.memref_slice %arg8[%mul3A_10, %dma_start3A_15] : memref<10048x144xf32, #tpu.memory_space<vmem_shared>> -> memref<628x144xf32, #tpu.memory_space<vmem_shared>>
      tpu.enqueue_dma source(%dma_start3A_16 : memref<628x144xf32, #tpu.memory_space<vmem_shared>>) target(%dma_start3A_14 : memref<628x144xf32, #tpu.memory_space<hbm>>) target_semaphore(%run_scoped3A : memref<!tpu.dma_semaphore, #tpu.memory_space<semaphore_mem>>)
      %dma_wait3A = arith.constant 0 : i32
      %dma_wait3A_17 = tpu.memref_slice %arg5[%arg0, %mul3A_12, %dma_wait3A] : memref<2x10048x144xf32, #tpu.memory_space<hbm>> -> memref<1x628x144xf32, #tpu.memory_space<hbm>>
      %dma_wait3A_18 = tpu.memref_squeeze %dma_wait3A_17 : memref<1x628x144xf32, #tpu.memory_space<hbm>> -> memref<628x144xf32, #tpu.memory_space<hbm>>
      %dma_wait3A_19 = arith.constant 0 : i32
      %dma_wait3A_20 = tpu.memref_slice %arg8[%mul3A_10, %dma_wait3A_19] : memref<10048x144xf32, #tpu.memory_space<vmem_shared>> -> memref<628x144xf32, #tpu.memory_space<vmem_shared>>
      tpu.wait_dma2 semaphore(%run_scoped3A : memref<!tpu.dma_semaphore, #tpu.memory_space<semaphore_mem>>) src(%dma_wait3A_20 : memref<628x144xf32, #tpu.memory_space<vmem_shared>>) dst(%dma_wait3A_18 : memref<628x144xf32, #tpu.memory_space<hbm>>)
      tpu.yield
    }) : () -> ()
    return
  }
}

#map = affine_map<(d0, d1) -> (0, 0)>
#map1 = affine_map<(d0, d1) -> (0, 0, 0, 0)>
#map2 = affine_map<(d0, d1) -> (0, 0, 0)>
module attributes {stable_mosaic.version = 14 : i64} {
  func.func @sc_pass(%arg0: i32, %arg1: i32, %arg2: memref<10048x144xf32, #tpu.memory_space<hbm>>, %arg3: memref<32x79x2x128xi32, #tpu.memory_space<hbm>>, %arg4: memref<628x144xf32, #tpu.memory_space<hbm>>, %arg5: memref<2x5120x144xf32, #tpu.memory_space<hbm>>, %arg6: memref<2x128xi32, #tpu.memory_space<vmem>>, %arg7: memref<128x144xf32, #tpu.memory_space<vmem>>, %arg8: memref<5120x144xf32, #tpu.memory_space<vmem_shared>>, %arg9: memref<!tpu.dma_semaphore, #tpu.memory_space<semaphore_mem>>) attributes {dimension_semantics = [#tpu.dimension_semantics<core_parallel>, #tpu.dimension_semantics<subcore_parallel>], iteration_bounds = array<i64: 2, 16>, scalar_prefetch = 0 : i64, scratch_operands = 4 : i64, tpu.core_type = #tpu.core_type<sc_vector_subcore>, window_params = [{transform_indices = #map}, {transform_indices = #map1}, {transform_indices = #map}, {transform_indices = #map2}]} {
    %mul3A = arith.constant 16 : i32
    %mul3A_0 = arith.muli %arg0, %mul3A : i32
    %add3A = arith.addi %mul3A_0, %arg1 : i32
    %mul3A_1 = arith.constant 320 : i32
    %mul3A_2 = arith.muli %arg1, %mul3A_1 : i32
    "tpu.region"() ({
      %run_scoped3A = tpu.sem_alloc : memref<!tpu.dma_semaphore, #tpu.memory_space<semaphore_mem>>
      %dma_start3A = arith.constant 0 : i32
      %dma_start3A_13 = tpu.memref_slice %arg8[%mul3A_2, %dma_start3A] : memref<5120x144xf32, #tpu.memory_space<vmem_shared>> -> memref<320x144xf32, #tpu.memory_space<vmem_shared>>
      %dma_start3A_14 = arith.constant 0 : i32
      %dma_start3A_15 = arith.constant 0 : i32
      %dma_start3A_16 = tpu.memref_slice %arg4[%dma_start3A_14, %dma_start3A_15] : memref<628x144xf32, #tpu.memory_space<hbm>> -> memref<320x144xf32, #tpu.memory_space<hbm>>
      tpu.enqueue_dma source(%dma_start3A_16 : memref<320x144xf32, #tpu.memory_space<hbm>>) target(%dma_start3A_13 : memref<320x144xf32, #tpu.memory_space<vmem_shared>>) target_semaphore(%run_scoped3A : memref<!tpu.dma_semaphore, #tpu.memory_space<semaphore_mem>>)
      %dma_wait3A = arith.constant 0 : i32
      %dma_wait3A_17 = tpu.memref_slice %arg8[%mul3A_2, %dma_wait3A] : memref<5120x144xf32, #tpu.memory_space<vmem_shared>> -> memref<320x144xf32, #tpu.memory_space<vmem_shared>>
      %dma_wait3A_18 = arith.constant 0 : i32
      %dma_wait3A_19 = arith.constant 0 : i32
      %dma_wait3A_20 = tpu.memref_slice %arg4[%dma_wait3A_18, %dma_wait3A_19] : memref<628x144xf32, #tpu.memory_space<hbm>> -> memref<320x144xf32, #tpu.memory_space<hbm>>
      tpu.wait_dma2 semaphore(%run_scoped3A : memref<!tpu.dma_semaphore, #tpu.memory_space<semaphore_mem>>) src(%dma_wait3A_20 : memref<320x144xf32, #tpu.memory_space<hbm>>) dst(%dma_wait3A_17 : memref<320x144xf32, #tpu.memory_space<vmem_shared>>)
      tpu.yield
    }) : () -> ()
    %barrier3A = arith.constant 0 : index
    tpu.barrier barrier_id(%barrier3A)
    %scan3A = arith.constant 0 : i32
    %scan3A_3 = arith.constant 0 : i32
    %scan3A_4 = arith.constant 79 : i32
    %scan3A_5 = arith.addi %scan3A_3, %scan3A_4 : i32
    %scan3A_6 = arith.constant 1 : i32
    scf.for %scan3A_13 = %scan3A_3 to %scan3A_5 step %scan3A_6  : i32 {
      "tpu.region"() ({
        %run_scoped3A_26 = tpu.sem_alloc : memref<!tpu.dma_semaphore, #tpu.memory_space<semaphore_mem>>
        %dma_start3A_27 = arith.constant 0 : i32
        %dma_start3A_28 = arith.constant 0 : i32
        %dma_start3A_29 = tpu.memref_slice %arg3[%add3A, %scan3A_13, %dma_start3A_27, %dma_start3A_28] : memref<32x79x2x128xi32, #tpu.memory_space<hbm>> -> memref<1x1x2x128xi32, #tpu.memory_space<hbm>>
        %dma_start3A_30 = tpu.memref_squeeze %dma_start3A_29 : memref<1x1x2x128xi32, #tpu.memory_space<hbm>> -> memref<2x128xi32, #tpu.memory_space<hbm>>
        %dma_start3A_31 = arith.constant 0 : i32
        %dma_start3A_32 = arith.constant 0 : i32
        %dma_start3A_33 = tpu.memref_slice %arg3[%add3A, %scan3A_13, %dma_start3A_31, %dma_start3A_32] : memref<32x79x2x128xi32, #tpu.memory_space<hbm>> -> memref<1x1x2x128xi32, #tpu.memory_space<hbm>>
        %dma_start3A_34 = tpu.memref_squeeze %dma_start3A_33 : memref<1x1x2x128xi32, #tpu.memory_space<hbm>> -> memref<2x128xi32, #tpu.memory_space<hbm>>
        tpu.enqueue_dma source(%dma_start3A_34 : memref<2x128xi32, #tpu.memory_space<hbm>>) target(%arg6 : memref<2x128xi32, #tpu.memory_space<vmem>>) target_semaphore(%run_scoped3A_26 : memref<!tpu.dma_semaphore, #tpu.memory_space<semaphore_mem>>)
        %dma_wait3A_35 = arith.constant 0 : i32
        %dma_wait3A_36 = arith.constant 0 : i32
        %dma_wait3A_37 = tpu.memref_slice %arg3[%add3A, %scan3A_13, %dma_wait3A_35, %dma_wait3A_36] : memref<32x79x2x128xi32, #tpu.memory_space<hbm>> -> memref<1x1x2x128xi32, #tpu.memory_space<hbm>>
        %dma_wait3A_38 = tpu.memref_squeeze %dma_wait3A_37 : memref<1x1x2x128xi32, #tpu.memory_space<hbm>> -> memref<2x128xi32, #tpu.memory_space<hbm>>
        %dma_wait3A_39 = arith.constant 0 : i32
        %dma_wait3A_40 = arith.constant 0 : i32
        %dma_wait3A_41 = tpu.memref_slice %arg3[%add3A, %scan3A_13, %dma_wait3A_39, %dma_wait3A_40] : memref<32x79x2x128xi32, #tpu.memory_space<hbm>> -> memref<1x1x2x128xi32, #tpu.memory_space<hbm>>
        %dma_wait3A_42 = tpu.memref_squeeze %dma_wait3A_41 : memref<1x1x2x128xi32, #tpu.memory_space<hbm>> -> memref<2x128xi32, #tpu.memory_space<hbm>>
        tpu.wait_dma2 semaphore(%run_scoped3A_26 : memref<!tpu.dma_semaphore, #tpu.memory_space<semaphore_mem>>) src(%dma_wait3A_42 : memref<2x128xi32, #tpu.memory_space<hbm>>) dst(%arg6 : memref<2x128xi32, #tpu.memory_space<vmem>>)
        tpu.yield
      }) : () -> ()
      %dma_start3A = arith.constant 0 : i32
      %dma_start3A_14 = arith.constant 0 : i32
      %dma_start3A_15 = tpu.memref_slice %arg6[%dma_start3A, %dma_start3A_14] : memref<2x128xi32, #tpu.memory_space<vmem>> -> memref<1x128xi32, #tpu.memory_space<vmem>>
      %dma_start3A_16 = tpu.memref_squeeze %dma_start3A_15 : memref<1x128xi32, #tpu.memory_space<vmem>> -> memref<128xi32, #tpu.memory_space<vmem>>
      %dma_start3A_17 = arith.constant 0 : i32
      %dma_start3A_18 = arith.constant 0 : i32
      %dma_start3A_19 = tpu.memref_slice %arg2[%dma_start3A_17, %dma_start3A_18] : memref<10048x144xf32, #tpu.memory_space<hbm>> -> memref<10048x144xf32, #tpu.memory_space<hbm>>
      tpu.enqueue_indirect_dma source(%dma_start3A_19 : memref<10048x144xf32, #tpu.memory_space<hbm>>) target(%arg7 : memref<128x144xf32, #tpu.memory_space<vmem>>) offsets(%dma_start3A_16 : memref<128xi32, #tpu.memory_space<vmem>>) semaphore(%arg9 : memref<!tpu.dma_semaphore, #tpu.memory_space<semaphore_mem>>)
      %dma_wait3A = arith.constant 0 : i32
      %dma_wait3A_20 = arith.constant 0 : i32
      %dma_wait3A_21 = tpu.memref_slice %arg6[%dma_wait3A, %dma_wait3A_20] : memref<2x128xi32, #tpu.memory_space<vmem>> -> memref<1x128xi32, #tpu.memory_space<vmem>>
      %dma_wait3A_22 = tpu.memref_squeeze %dma_wait3A_21 : memref<1x128xi32, #tpu.memory_space<vmem>> -> memref<128xi32, #tpu.memory_space<vmem>>
      %dma_wait3A_23 = arith.constant 0 : i32
      %dma_wait3A_24 = arith.constant 0 : i32
      %dma_wait3A_25 = tpu.memref_slice %arg2[%dma_wait3A_23, %dma_wait3A_24] : memref<10048x144xf32, #tpu.memory_space<hbm>> -> memref<10048x144xf32, #tpu.memory_space<hbm>>
      tpu.wait_indirect_dma semaphore(%arg9 : memref<!tpu.dma_semaphore, #tpu.memory_space<semaphore_mem>>) src(%dma_wait3A_25 : memref<10048x144xf32, #tpu.memory_space<hbm>>) dst(%arg7 : memref<128x144xf32, #tpu.memory_space<vmem>>)
      %run_scoped3A = arith.constant 1 : i32
      "tpu.region"() ({
        %run_scoped3A_26 = tpu.sem_alloc : memref<!tpu.dma_semaphore, #tpu.memory_space<semaphore_mem>>
        %dma_start3A_27 = arith.constant 0 : i32
        %dma_start3A_28 = tpu.memref_slice %arg6[%run_scoped3A, %dma_start3A_27] : memref<2x128xi32, #tpu.memory_space<vmem>> -> memref<1x128xi32, #tpu.memory_space<vmem>>
        %dma_start3A_29 = tpu.memref_squeeze %dma_start3A_28 : memref<1x128xi32, #tpu.memory_space<vmem>> -> memref<128xi32, #tpu.memory_space<vmem>>
        %dma_start3A_30 = arith.constant 0 : i32
        %dma_start3A_31 = arith.constant 0 : i32
        %dma_start3A_32 = tpu.memref_slice %arg8[%dma_start3A_30, %dma_start3A_31] : memref<5120x144xf32, #tpu.memory_space<vmem_shared>> -> memref<5120x144xf32, #tpu.memory_space<vmem_shared>>
        tpu.enqueue_indirect_dma source(%arg7 : memref<128x144xf32, #tpu.memory_space<vmem>>) target(%dma_start3A_32 : memref<5120x144xf32, #tpu.memory_space<vmem_shared>>) offsets(%dma_start3A_29 : memref<128xi32, #tpu.memory_space<vmem>>) semaphore(%run_scoped3A_26 : memref<!tpu.dma_semaphore, #tpu.memory_space<semaphore_mem>>) {add = true}
        %dma_wait3A_33 = arith.constant 0 : i32
        %dma_wait3A_34 = tpu.memref_slice %arg6[%run_scoped3A, %dma_wait3A_33] : memref<2x128xi32, #tpu.memory_space<vmem>> -> memref<1x128xi32, #tpu.memory_space<vmem>>
        %dma_wait3A_35 = tpu.memref_squeeze %dma_wait3A_34 : memref<1x128xi32, #tpu.memory_space<vmem>> -> memref<128xi32, #tpu.memory_space<vmem>>
        %dma_wait3A_36 = arith.constant 0 : i32
        %dma_wait3A_37 = arith.constant 0 : i32
        %dma_wait3A_38 = tpu.memref_slice %arg8[%dma_wait3A_36, %dma_wait3A_37] : memref<5120x144xf32, #tpu.memory_space<vmem_shared>> -> memref<5120x144xf32, #tpu.memory_space<vmem_shared>>
        tpu.wait_indirect_dma semaphore(%run_scoped3A_26 : memref<!tpu.dma_semaphore, #tpu.memory_space<semaphore_mem>>) src(%arg7 : memref<128x144xf32, #tpu.memory_space<vmem>>) dst(%dma_wait3A_38 : memref<5120x144xf32, #tpu.memory_space<vmem_shared>>)
        tpu.yield
      }) : () -> ()
    }
    %scan3A_7 = arith.constant 79 : i32
    %barrier3A_8 = arith.constant 0 : index
    tpu.barrier barrier_id(%barrier3A_8)
    %mul3A_9 = arith.constant 320 : i32
    %mul3A_10 = arith.muli %arg1, %mul3A_9 : i32
    %mul3A_11 = arith.constant 320 : i32
    %mul3A_12 = arith.muli %arg1, %mul3A_11 : i32
    "tpu.region"() ({
      %run_scoped3A = tpu.sem_alloc : memref<!tpu.dma_semaphore, #tpu.memory_space<semaphore_mem>>
      %dma_start3A = arith.constant 0 : i32
      %dma_start3A_13 = tpu.memref_slice %arg5[%arg0, %mul3A_12, %dma_start3A] : memref<2x5120x144xf32, #tpu.memory_space<hbm>> -> memref<1x320x144xf32, #tpu.memory_space<hbm>>
      %dma_start3A_14 = tpu.memref_squeeze %dma_start3A_13 : memref<1x320x144xf32, #tpu.memory_space<hbm>> -> memref<320x144xf32, #tpu.memory_space<hbm>>
      %dma_start3A_15 = arith.constant 0 : i32
      %dma_start3A_16 = tpu.memref_slice %arg8[%mul3A_10, %dma_start3A_15] : memref<5120x144xf32, #tpu.memory_space<vmem_shared>> -> memref<320x144xf32, #tpu.memory_space<vmem_shared>>
      tpu.enqueue_dma source(%dma_start3A_16 : memref<320x144xf32, #tpu.memory_space<vmem_shared>>) target(%dma_start3A_14 : memref<320x144xf32, #tpu.memory_space<hbm>>) target_semaphore(%run_scoped3A : memref<!tpu.dma_semaphore, #tpu.memory_space<semaphore_mem>>)
      %dma_wait3A = arith.constant 0 : i32
      %dma_wait3A_17 = tpu.memref_slice %arg5[%arg0, %mul3A_12, %dma_wait3A] : memref<2x5120x144xf32, #tpu.memory_space<hbm>> -> memref<1x320x144xf32, #tpu.memory_space<hbm>>
      %dma_wait3A_18 = tpu.memref_squeeze %dma_wait3A_17 : memref<1x320x144xf32, #tpu.memory_space<hbm>> -> memref<320x144xf32, #tpu.memory_space<hbm>>
      %dma_wait3A_19 = arith.constant 0 : i32
      %dma_wait3A_20 = tpu.memref_slice %arg8[%mul3A_10, %dma_wait3A_19] : memref<5120x144xf32, #tpu.memory_space<vmem_shared>> -> memref<320x144xf32, #tpu.memory_space<vmem_shared>>
      tpu.wait_dma2 semaphore(%run_scoped3A : memref<!tpu.dma_semaphore, #tpu.memory_space<semaphore_mem>>) src(%dma_wait3A_20 : memref<320x144xf32, #tpu.memory_space<vmem_shared>>) dst(%dma_wait3A_18 : memref<320x144xf32, #tpu.memory_space<hbm>>)
      tpu.yield
    }) : () -> ()
    return
  }
}

module attributes {stable_mosaic.version = 14 : i64} {
  func.func @_s1_body(%arg0: i32, %arg1: memref<1256x128xf32, #tpu.memory_space<vmem>>, %arg2: memref<128x128xf32, #tpu.memory_space<vmem>>, %arg3: memref<1256x144xf32, #tpu.memory_space<vmem>>) attributes {dimension_semantics = [#tpu.dimension_semantics<arbitrary>], iteration_bounds = array<i64: 8>, scalar_prefetch = 0 : i64, scratch_operands = 0 : i64, tpu.core_type = #tpu.core_type<tc>, window_params = [{transform_indices = @transform_0, window_bounds = array<i64: 1256, 128>}, {pipeline_mode = #tpu.pipeline_mode<synchronous>, transform_indices = @transform_1, window_bounds = array<i64: 128, 128>}, {transform_indices = @transform_2, window_bounds = array<i64: 1256, 144>}]} {
    %get3A = arith.constant 0 : index
    %get3A_0 = arith.constant 0 : index
    %get3A_1 = vector.load %arg1[%get3A, %get3A_0] : memref<1256x128xf32, #tpu.memory_space<vmem>>, vector<1256x128xf32>
    %get3A_2 = arith.constant 0 : index
    %get3A_3 = arith.constant 0 : index
    %get3A_4 = vector.load %arg2[%get3A_2, %get3A_3] : memref<128x128xf32, #tpu.memory_space<vmem>>, vector<128x128xf32>
    %dot_general3A = arith.constant dense<0.000000e+00> : vector<1256x128xf32>
    %dot_general3A_5 = tpu.matmul %get3A_1, %get3A_4, %dot_general3A {dimension_numbers = #tpu.dot_dimension_numbers<[1], [1], [0], [0], [0, 0, 1, 0], [], []>, transpose_lhs_hint = false} : vector<1256x128xf32>, vector<128x128xf32>, vector<1256x128xf32> -> vector<1256x128xf32>
    %iota3A = tpu.iota {dimensions = array<i32: 1>} : vector<1256x16xi32>
    %eq3A = arith.constant 0 : i32
    %eq3A_6 = vector.broadcast %eq3A : i32 to vector<1256x16xi32>
    %eq3A_7 = arith.cmpi eq, %iota3A, %eq3A_6 : vector<1256x16xi32>
    %jit3A = arith.constant 1.000000e+00 : f32
    %jit3A_8 = arith.constant 0.000000e+00 : f32
    %broadcast_in_dim3A = vector.broadcast %jit3A : f32 to vector<1256x16xf32>
    %broadcast_in_dim3A_9 = vector.broadcast %jit3A_8 : f32 to vector<1256x16xf32>
    %select_n3A = arith.select %eq3A_7, %broadcast_in_dim3A, %broadcast_in_dim3A_9 : vector<1256x16xi1>, vector<1256x16xf32>
    %concatenate3A = tpu.concatenate %dot_general3A_5, %select_n3A in 1 : vector<1256x128xf32>, vector<1256x16xf32> -> vector<1256x144xf32>
    %swap3A = arith.constant 0 : index
    %swap3A_10 = arith.constant 0 : index
    %swap3A_11 = vector.load %arg3[%swap3A, %swap3A_10] : memref<1256x144xf32, #tpu.memory_space<vmem>>, vector<1256x144xf32>
    tpu.vector_store %arg3[%swap3A, %swap3A_10], %concatenate3A {strides = array<i32>} : memref<1256x144xf32, #tpu.memory_space<vmem>>, vector<1256x144xf32>,
    return
  }
  func.func @transform_0(%arg0: i32) -> (i32, i32) {
    %c0_i32 = arith.constant 0 : i32
    %c0_i32_0 = arith.constant 0 : i32
    return %arg0, %c0_i32 : i32, i32
  }
  func.func @transform_1(%arg0: i32) -> (i32, i32) {
    %c0_i32 = arith.constant 0 : i32
    %c0_i32_0 = arith.constant 0 : i32
    %c0_i32_1 = arith.constant 0 : i32
    return %c0_i32, %c0_i32_0 : i32, i32
  }
  func.func @transform_2(%arg0: i32) -> (i32, i32) {
    %c0_i32 = arith.constant 0 : i32
    %c0_i32_0 = arith.constant 0 : i32
    return %arg0, %c0_i32 : i32, i32
  }
}

module attributes {stable_mosaic.version = 14 : i64} {
  func.func @_s3_body(%arg0: i32, %arg1: memref<2x640x144xf32, #tpu.memory_space<vmem>>, %arg2: memref<128x8xf32, #tpu.memory_space<vmem>>, %arg3: memref<128x128xf32, #tpu.memory_space<vmem>>, %arg4: memref<640x144xf32, #tpu.memory_space<vmem>>) attributes {dimension_semantics = [#tpu.dimension_semantics<arbitrary>], iteration_bounds = array<i64: 8>, scalar_prefetch = 0 : i64, scratch_operands = 0 : i64, tpu.core_type = #tpu.core_type<tc>, window_params = [{transform_indices = @transform_0, window_bounds = array<i64: 2, 640, 144>}, {pipeline_mode = #tpu.pipeline_mode<synchronous>, transform_indices = @transform_1, window_bounds = array<i64: 128, 8>}, {pipeline_mode = #tpu.pipeline_mode<synchronous>, transform_indices = @transform_2, window_bounds = array<i64: 128, 128>}, {transform_indices = @transform_3, window_bounds = array<i64: 640, 144>}]} {
    %get3A = arith.constant 0 : index
    %get3A_0 = arith.constant 0 : index
    %get3A_1 = arith.constant 0 : index
    %get3A_2 = vector.load %arg1[%get3A, %get3A_0, %get3A_1] : memref<2x640x144xf32, #tpu.memory_space<vmem>>, vector<1x640x144xf32>
    %get3A_3 = vector.shape_cast %get3A_2 : vector<1x640x144xf32> to vector<640x144xf32>
    %get3A_4 = arith.constant 1 : index
    %get3A_5 = arith.constant 0 : index
    %get3A_6 = arith.constant 0 : index
    %get3A_7 = vector.load %arg1[%get3A_4, %get3A_5, %get3A_6] : memref<2x640x144xf32, #tpu.memory_space<vmem>>, vector<1x640x144xf32>
    %get3A_8 = vector.shape_cast %get3A_7 : vector<1x640x144xf32> to vector<640x144xf32>
    %add3A = arith.addf %get3A_3, %get3A_8 : vector<640x144xf32>
    %slice3A = vector.extract_strided_slice %add3A {offsets = [0, 128], sizes = [640, 1], strides = [1, 1]} : vector<640x144xf32> to vector<640x1xf32>
    %max3A = arith.constant 1.000000e+00 : f32
    %max3A_9 = vector.broadcast %max3A : f32 to vector<640x1xf32>
    %max3A_10 = arith.maximumf %slice3A, %max3A_9 : vector<640x1xf32>
    %slice3A_11 = vector.extract_strided_slice %add3A {offsets = [0, 0], sizes = [640, 128], strides = [1, 1]} : vector<640x144xf32> to vector<640x128xf32>
    %div3A = vector.broadcast %max3A_10 : vector<640x1xf32> to vector<640x128xf32>
    %div3A_12 = arith.divf %slice3A_11, %div3A : vector<640x128xf32>
    %get3A_13 = arith.constant 0 : index
    %get3A_14 = arith.constant 0 : index
    %get3A_15 = vector.load %arg3[%get3A_13, %get3A_14] : memref<128x128xf32, #tpu.memory_space<vmem>>, vector<128x128xf32>
    %dot_general3A = arith.constant dense<0.000000e+00> : vector<640x128xf32>
    %dot_general3A_16 = tpu.matmul %div3A_12, %get3A_15, %dot_general3A {dimension_numbers = #tpu.dot_dimension_numbers<[1], [0], [0], [1], [0, 0, 1, 1], [], []>, transpose_lhs_hint = false} : vector<640x128xf32>, vector<128x128xf32>, vector<640x128xf32> -> vector<640x128xf32>
    %ge3A = arith.constant 0.000000e+00 : f32
    %ge3A_17 = vector.broadcast %ge3A : f32 to vector<640x128xf32>
    %ge3A_18 = arith.cmpf oge, %dot_general3A_16, %ge3A_17 : vector<640x128xf32>
    %mul3A = arith.constant 2.000000e-01 : f32
    %mul3A_19 = vector.broadcast %mul3A : f32 to vector<640x128xf32>
    %mul3A_20 = arith.mulf %mul3A_19, %dot_general3A_16 : vector<640x128xf32>
    %select_n3A = arith.select %ge3A_18, %dot_general3A_16, %mul3A_20 : vector<640x128xi1>, vector<640x128xf32>
    %exp3A = math.exp %select_n3A : vector<640x128xf32>
    %get3A_21 = arith.constant 0 : index
    %get3A_22 = arith.constant 0 : index
    %get3A_23 = vector.load %arg2[%get3A_21, %get3A_22] : memref<128x8xf32, #tpu.memory_space<vmem>>, vector<128x8xf32>
    %dot_general3A_24 = arith.constant dense<0.000000e+00> : vector<640x8xf32>
    %dot_general3A_25 = tpu.matmul %div3A_12, %get3A_23, %dot_general3A_24 {dimension_numbers = #tpu.dot_dimension_numbers<[1], [0], [0], [1], [0, 0, 1, 1], [], []>, transpose_lhs_hint = false} : vector<640x128xf32>, vector<128x8xf32>, vector<640x8xf32> -> vector<640x8xf32>
    %ge3A_26 = arith.constant 0.000000e+00 : f32
    %ge3A_27 = vector.broadcast %ge3A_26 : f32 to vector<640x8xf32>
    %ge3A_28 = arith.cmpf oge, %dot_general3A_25, %ge3A_27 : vector<640x8xf32>
    %mul3A_29 = arith.constant 2.000000e-01 : f32
    %mul3A_30 = vector.broadcast %mul3A_29 : f32 to vector<640x8xf32>
    %mul3A_31 = arith.mulf %mul3A_30, %dot_general3A_25 : vector<640x8xf32>
    %select_n3A_32 = arith.select %ge3A_28, %dot_general3A_25, %mul3A_31 : vector<640x8xi1>, vector<640x8xf32>
    %exp3A_33 = math.exp %select_n3A_32 : vector<640x8xf32>
    %broadcast_in_dim3A = arith.constant 0.000000e+00 : f32
    %broadcast_in_dim3A_34 = vector.broadcast %broadcast_in_dim3A : f32 to vector<640x8xf32>
    %mul3A_35 = arith.mulf %div3A_12, %exp3A : vector<640x128xf32>
    %concatenate3A = tpu.concatenate %mul3A_35, %exp3A_33, %broadcast_in_dim3A_34 in 1 : vector<640x128xf32>, vector<640x8xf32>, vector<640x8xf32> -> vector<640x144xf32>
    %swap3A = arith.constant 0 : index
    %swap3A_36 = arith.constant 0 : index
    %swap3A_37 = vector.load %arg4[%swap3A, %swap3A_36] : memref<640x144xf32, #tpu.memory_space<vmem>>, vector<640x144xf32>
    tpu.vector_store %arg4[%swap3A, %swap3A_36], %concatenate3A {strides = array<i32>} : memref<640x144xf32, #tpu.memory_space<vmem>>, vector<640x144xf32>,
    return
  }
  func.func @transform_0(%arg0: i32) -> (i32, i32, i32) {
    %c0_i32 = arith.constant 0 : i32
    %c0_i32_0 = arith.constant 0 : i32
    %c0_i32_1 = arith.constant 0 : i32
    return %c0_i32, %arg0, %c0_i32_0 : i32, i32, i32
  }
  func.func @transform_1(%arg0: i32) -> (i32, i32) {
    %c0_i32 = arith.constant 0 : i32
    %c0_i32_0 = arith.constant 0 : i32
    %c0_i32_1 = arith.constant 0 : i32
    return %c0_i32, %c0_i32_0 : i32, i32
  }
  func.func @transform_2(%arg0: i32) -> (i32, i32) {
    %c0_i32 = arith.constant 0 : i32
    %c0_i32_0 = arith.constant 0 : i32
    %c0_i32_1 = arith.constant 0 : i32
    return %c0_i32, %c0_i32_0 : i32, i32
  }
  func.func @transform_3(%arg0: i32) -> (i32, i32) {
    %c0_i32 = arith.constant 0 : i32
    %c0_i32_0 = arith.constant 0 : i32
    return %arg0, %c0_i32 : i32, i32
  }
}

module attributes {stable_mosaic.version = 14 : i64} {
  func.func @_s5_body(%arg0: i32, %arg1: memref<2x400x144xf32, #tpu.memory_space<vmem>>, %arg2: memref<8x128xf32, #tpu.memory_space<vmem>>, %arg3: memref<400x128xf32, #tpu.memory_space<vmem>>) attributes {dimension_semantics = [#tpu.dimension_semantics<arbitrary>], iteration_bounds = array<i64: 25>, scalar_prefetch = 0 : i64, scratch_operands = 0 : i64, tpu.core_type = #tpu.core_type<tc>, window_params = [{transform_indices = @transform_0, window_bounds = array<i64: 2, 400, 144>}, {pipeline_mode = #tpu.pipeline_mode<synchronous>, transform_indices = @transform_1, window_bounds = array<i64: 8, 128>}, {transform_indices = @transform_2, window_bounds = array<i64: 400, 128>}]} {
    %get3A = arith.constant 0 : index
    %get3A_0 = arith.constant 0 : index
    %get3A_1 = arith.constant 0 : index
    %get3A_2 = vector.load %arg1[%get3A, %get3A_0, %get3A_1] : memref<2x400x144xf32, #tpu.memory_space<vmem>>, vector<1x400x144xf32>
    %get3A_3 = vector.shape_cast %get3A_2 : vector<1x400x144xf32> to vector<400x144xf32>
    %get3A_4 = arith.constant 1 : index
    %get3A_5 = arith.constant 0 : index
    %get3A_6 = arith.constant 0 : index
    %get3A_7 = vector.load %arg1[%get3A_4, %get3A_5, %get3A_6] : memref<2x400x144xf32, #tpu.memory_space<vmem>>, vector<1x400x144xf32>
    %get3A_8 = vector.shape_cast %get3A_7 : vector<1x400x144xf32> to vector<400x144xf32>
    %add3A = arith.addf %get3A_3, %get3A_8 : vector<400x144xf32>
    %slice3A = vector.extract_strided_slice %add3A {offsets = [0, 0], sizes = [400, 128], strides = [1, 1]} : vector<400x144xf32> to vector<400x128xf32>
    %slice3A_9 = vector.extract_strided_slice %add3A {offsets = [0, 128], sizes = [400, 8], strides = [1, 1]} : vector<400x144xf32> to vector<400x8xf32>
    %get3A_10 = arith.constant 0 : index
    %get3A_11 = arith.constant 0 : index
    %get3A_12 = vector.load %arg2[%get3A_10, %get3A_11] : memref<8x128xf32, #tpu.memory_space<vmem>>, vector<8x128xf32>
    %dot_general3A = arith.constant dense<0.000000e+00> : vector<400x128xf32>
    %dot_general3A_13 = tpu.matmul %slice3A_9, %get3A_12, %dot_general3A {dimension_numbers = #tpu.dot_dimension_numbers<[1], [0], [0], [1], [0, 0, 1, 1], [], []>, transpose_lhs_hint = false} : vector<400x8xf32>, vector<8x128xf32>, vector<400x128xf32> -> vector<400x128xf32>
    %add3A_14 = arith.constant 1.000000e-16 : f32
    %add3A_15 = vector.broadcast %add3A_14 : f32 to vector<400x128xf32>
    %add3A_16 = arith.addf %dot_general3A_13, %add3A_15 : vector<400x128xf32>
    %div3A = arith.divf %slice3A, %add3A_16 : vector<400x128xf32>
    %mul3A = arith.mulf %div3A, %div3A : vector<400x128xf32>
    %reduce_sum3A = arith.constant dense<0.000000e+00> : vector<400xf32>
    %reduce_sum3A_17 = vector.multi_reduction <add>, %mul3A, %reduce_sum3A [1] : vector<400x128xf32> to vector<400xf32>
    %broadcast_in_dim3A = vector.shape_cast %reduce_sum3A_17 : vector<400xf32> to vector<400x1xf32>
    %sqrt3A = math.sqrt %broadcast_in_dim3A : vector<400x1xf32>
    %gt3A = arith.constant 0.000000e+00 : f32
    %gt3A_18 = vector.broadcast %gt3A : f32 to vector<400x1xf32>
    %gt3A_19 = arith.cmpf ogt, %sqrt3A, %gt3A_18 : vector<400x1xf32>
    %div3A_20 = vector.broadcast %sqrt3A : vector<400x1xf32> to vector<400x128xf32>
    %div3A_21 = arith.divf %div3A, %div3A_20 : vector<400x128xf32>
    %jit3A = arith.constant 0.000000e+00 : f32
    %broadcast_in_dim3A_22 = vector.shape_cast %gt3A_19 : vector<400x1xi1> to vector<400x1xi1>
    %broadcast_in_dim3A_23 = vector.broadcast %broadcast_in_dim3A_22 : vector<400x1xi1> to vector<400x128xi1>
    %broadcast_in_dim3A_24 = vector.broadcast %jit3A : f32 to vector<400x128xf32>
    %select_n3A = arith.select %broadcast_in_dim3A_23, %div3A_21, %broadcast_in_dim3A_24 : vector<400x128xi1>, vector<400x128xf32>
    %swap3A = arith.constant 0 : index
    %swap3A_25 = arith.constant 0 : index
    %swap3A_26 = vector.load %arg3[%swap3A, %swap3A_25] : memref<400x128xf32, #tpu.memory_space<vmem>>, vector<400x128xf32>
    tpu.vector_store %arg3[%swap3A, %swap3A_25], %select_n3A {strides = array<i32>} : memref<400x128xf32, #tpu.memory_space<vmem>>, vector<400x128xf32>,
    return
  }
  func.func @transform_0(%arg0: i32) -> (i32, i32, i32) {
    %c0_i32 = arith.constant 0 : i32
    %c0_i32_0 = arith.constant 0 : i32
    %c0_i32_1 = arith.constant 0 : i32
    return %c0_i32, %arg0, %c0_i32_0 : i32, i32, i32
  }
  func.func @transform_1(%arg0: i32) -> (i32, i32) {
    %c0_i32 = arith.constant 0 : i32
    %c0_i32_0 = arith.constant 0 : i32
    %c0_i32_1 = arith.constant 0 : i32
    return %c0_i32, %c0_i32_0 : i32, i32
  }
  func.func @transform_2(%arg0: i32) -> (i32, i32) {
    %c0_i32 = arith.constant 0 : i32
    %c0_i32_0 = arith.constant 0 : i32
    return %arg0, %c0_i32 : i32, i32
  }
}

</mosaic_0001>

<sc_bundles>
// kernel: kernel.10.cloned.1.call-start
scs
__scs_entry_jumppad:
0x0: {  	(pc) =	sbr.rel $0x88, $3  }
0x1: {  	(tag) =	ssettag $0x0;
	lr =	simm.s32 $0x1  }
0x2: {  	[smem:$0x3F9C] =	sst lr;
	_ =	strace $0xD0000000  }
0x3: {  	_ = 	snop  }
0x4: {  	_ = 	snop  }
0x5: {  	_ = 	snop  }
0x6: {  	_ = 	snop  }
0x7: {  	_ = 	snop  }
__scs_overlays_trampoline_lowered:
0x8: {  	[smem:$0x3FAB] =	sst s0  }
0x9: {  	[smem:$0x3FAC] =	sst s1  }
0xa: {  	[smem:$0x3FAD] =	sst s2  }
0xb: {  	[smem:$0x3FAE] =	sst s3  }
0xc: {  	[smem:$0x3FAF] =	sst s4  }
0xd: {  	[smem:$0x3FB0] =	sst s5  }
0xe: {  	[smem:$0x3FB1] =	sst s6  }
0xf: {  	[smem:$0x3FB2] =	sst s7  }
0x10: {  	[smem:$0x3FB3] =	sst s8  }
0x11: {  	[smem:$0x3FB4] =	sst s9;
	s0 =	simm.s32 @!p0 $0x0  }
0x12: {  	s1 =	sld [smem:$0x3F9A];
	s0 =	simm.s32 @p0 $0x1  }
0x13: {  	[smem:$0x3FB5] =	sst s0;
	s0 =	simm.s32 @!p1 $0x0  }
0x14: {  	s2 =	sld [smem:$0x3F99];
	s0 =	simm.s32 @p1 $0x1  }
0x15: {  	[smem:$0x3FB6] =	sst s0;
	s0 =	simm.s32 @!p2 $0x0  }
0x16: {  	s3 =	sld [smem:$0x3FDB];
	s0 =	simm.s32 @p2 $0x1  }
0x17: {  	s4 =	simm.s32 $0x1BF5;
	[smem:$0x3FB8] =	sst s0  }
0x18: {  	s0 =	sld [smem:$0x3F9B];
	_ =	swait.ge [sflag:s4], $0x0  }
0x19: {  	s7 =	sld [smem:$0x3F9C]  }
0x1a: {  	s8 =	sadd.s32 $0xFFFFE003, lr  }
0x1b: {  	s9 =	sadd.s32 $0xFFFFFEF7, lr;
	s5 =	simm.s32 $0xFFFFFFFF;
	p2 =	slt.u32 s8, $0xFFFFF086  }
0x1c: {  	p1 =	slt.u32 s9, $0xF7A;
	s5 =	simm.s32 @!p2 $0x0  }
0x1d: {  	s5 =	simm.s32 @p1 $0x1;
	p0 =	seq.s32 s7, s2  }
0x1e: {  	s7 =	smul.u32 @!p0 $0xF7A, s2;
	p2 =	seq.s32 @!p0 s5, $0x0  }
0x1f: {  	s9 =	smul.u32 $0xF7A, s1;
	s8 =	simm.s32 @!p0 $0x1BF5;
	p2 =	por !p2, p0  }
0x20: {  	[sflag:s8] =	ssyncset.s32 @!p0 $0xFFFFF086;
	s6 =	sadd.s32 @!p0 s3, s7;
	s7 =	simm.s32 @!p0 $0x108  }
0x21: {  	s3 =	sadd.s32 s3, s9;
	s6 =	sadd.s32 @!p0 $0x88, s6;
	s7 =	simm.s32 @p2 $0x1082  }
0x22: {  	[simem:s7], [sflag:s8] =	dma.local @!p0 [hbm:s6], $0xF7A  }
0x23: {  	s9 =	sor.u32 $0xD0000000, s2;
	s6 =	simm.s32 $0x108;
	_ =	swait.ge @!p0 [sflag:s8], $0x0  }
0x24: {  	s3 =	sadd.s32 $0x88, s3;
	s6 =	simm.s32 @!p1 $0x1082;
	[sflag:s4] =	ssyncset.s32 $0xFFFFF086  }
0x25: {  	[simem:s6], [sflag:s4] =	dma.local [hbm:s3], $0xF7A  }
0x26: {  	[smem:$0x3F9C] =	sst s1;
	(tag) =	ssettag s2;
	_ =	strace s9  }
0x27: {  	s1 =	sld [smem:$0x3FAC]  }
0x28: {  	s2 =	sld [smem:$0x3FAD]  }
0x29: {  	s4 =	sld [smem:$0x3FAF]  }
0x2a: {  	p0 =	seq.s32 s5, $0x0;
	s5 =	sld [smem:$0x3FB0]  }
0x2b: {  	s6 =	sld [smem:$0x3FB1]  }
0x2c: {  	s7 =	sld [smem:$0x3FB2]  }
0x2d: {  	s3 =	simm.s32 $0x108;
	s8 =	sld [smem:$0x3FB3]  }
0x2e: {  	s3 =	simm.s32 @!p0 $0x1082;
	s9 =	sld [smem:$0x3FB4]  }
0x2f: {  	lr =	sadd.s32 s0, s3;
	s0 =	sld [smem:$0x3FAB]  }
0x30: {  	s3 =	sld [smem:$0x3FAE]  }
0x31: {  	[smem:$0x3FB7] =	sst s10  }
0x32: {  	s10 =	sld [smem:$0x3FB5];
	_ =	sdelay $0x3  }
0x33: {  	p0 =	seq.s32 s10, $0x1;
	s10 =	sld [smem:$0x3FB7];
	_ =	sdelay $0x3  }
0x34: {  	[smem:$0x3FB7] =	sst s10  }
0x35: {  	s10 =	sld [smem:$0x3FB6];
	_ =	sdelay $0x3  }
0x36: {  	p1 =	seq.s32 s10, $0x1;
	s10 =	sld [smem:$0x3FB7];
	_ =	sdelay $0x3  }
0x37: {  	[smem:$0x3FB7] =	sst s10  }
0x38: {  	s10 =	sld [smem:$0x3FB8]  }
0x39: {  	_ = 	snop;
	(pc) =	sbr.ind lr, $3  }
0x3a: {  	_ = 	snop  }
0x3b: {  	_ = 	snop  }
0x3c: {  	p2 =	seq.s32 s10, $0x1;
	s10 =	sld [smem:$0x3FB7]  }
0x3d: {  	_ =	shalt  }
0x3e: {  	_ =	shalt  }
0x3f: {  	_ =	shalt  }
0x40: {  	_ =	shalt  }
0x41: {  	_ =	shalt  }
0x42: {  	_ =	shalt  }
0x43: {  	_ =	shalt  }
0x44: {  	_ =	shalt  }
0x45: {  	_ =	shalt  }
0x46: {  	_ =	shalt  }
0x47: {  	_ =	shalt  }
0x48: {  	_ =	shalt  }
0x49: {  	_ =	shalt  }
0x4a: {  	_ =	shalt  }
0x4b: {  	_ =	shalt  }
0x4c: {  	_ =	shalt  }
0x4d: {  	_ =	shalt  }
0x4e: {  	_ =	shalt  }
0x4f: {  	_ =	shalt  }
0x50: {  	_ =	shalt  }
0x51: {  	_ =	shalt  }
0x52: {  	_ =	shalt  }
0x53: {  	_ =	shalt  }
0x54: {  	_ =	shalt  }
0x55: {  	_ =	shalt  }
0x56: {  	_ =	shalt  }
0x57: {  	_ =	shalt  }
0x58: {  	_ =	shalt  }
0x59: {  	_ =	shalt  }
0x5a: {  	_ =	shalt  }
0x5b: {  	_ =	shalt  }
0x5c: {  	_ =	shalt  }
0x5d: {  	_ =	shalt  }
0x5e: {  	_ =	shalt  }
0x5f: {  	_ =	shalt  }
0x60: {  	_ =	shalt  }
0x61: {  	_ =	shalt  }
0x62: {  	_ =	shalt  }
0x63: {  	_ =	shalt  }
0x64: {  	_ =	shalt  }
0x65: {  	_ =	shalt  }
0x66: {  	_ =	shalt  }
0x67: {  	_ =	shalt  }
0x68: {  	_ =	shalt  }
0x69: {  	_ =	shalt  }
0x6a: {  	_ =	shalt  }
0x6b: {  	_ =	shalt  }
0x6c: {  	_ =	shalt  }
0x6d: {  	_ =	shalt  }
0x6e: {  	_ =	shalt  }
0x6f: {  	_ =	shalt  }
0x70: {  	_ =	shalt  }
0x71: {  	_ =	shalt  }
0x72: {  	_ =	shalt  }
0x73: {  	_ =	shalt  }
0x74: {  	_ =	shalt  }
0x75: {  	_ =	shalt  }
0x76: {  	_ =	shalt  }
0x77: {  	_ =	shalt  }
0x78: {  	_ =	shalt  }
0x79: {  	_ =	shalt  }
0x7a: {  	_ =	shalt  }
0x7b: {  	_ =	shalt  }
0x7c: {  	_ =	shalt  }
0x7d: {  	_ =	shalt  }
0x7e: {  	_ =	shalt  }
0x7f: {  	_ =	shalt  }
0x80: {  	_ =	shalt  }
0x81: {  	_ =	shalt  }
0x82: {  	_ =	shalt  }
0x83: {  	_ =	shalt  }
0x84: {  	_ =	shalt  }
0x85: {  	_ =	shalt  }
0x86: {  	_ =	shalt  }
0x87: {  	_ =	shalt  }
.Lfunc_end0:
.L_simem_size_0:
called_computation.1_lowered:
.L_overlay_start_0:
0x88: {  	s2 =	sld [smem:$0x3FD9]  }
0x89: {  	s3 =	sld [smem:$0x3FFE];
	_ =	sdelay $0x1  }
0x8a: {  	s1 =	srdreg.scid  }
0x8b: {  	s0 =	sand.u32 $0x1, s1  }
0x8c: {  	s17 =	sshll.u32 s0, $0xA;
	s2 =	sadd.s32 s3, s2  }
0x8d: {  	s2 =	sadd.s32 s2, s17  }
0x8e: {  	[smem:$0x3FC3] =	sst s2  }
0x8f: {  	_ = 	snop  }
0x90: {  	s2 =	sld [smem:$0x3FD0];
	(tm) =	ssettm $0x1  }
0x91: {  	s18 =	sld [smem:$0x3FFB];
	_ =	sdelay $0x3  }
0x92: {  	_ =	strace s18  }
0x93: {  	s3 =	sld [smem:$0x3FFC];
	_ =	sdelay $0x3  }
0x94: {  	_ =	strace s3  }
0x95: {  	s3 =	sld [smem:$0x3FFD];
	_ =	sdelay $0x3  }
0x96: {  	_ =	strace s3  }
0x97: {  	_ =	strace $0x8FFFFFFF  }
0x98: {  	s19 =	sld [smem:$0x3FDB];
	_ =	sdelay $0x1  }
0x99: {  	s4 =	simm.s32 $_scs_section_size  }
0x9a: {  	s5 =	simm.s32 $_size__tile_overlayer_lowered;
	s6 =	simm.s32 $_tile_overlayer_lowered  }
0x9b: {  	s22 =	simm.s32 $0x1BFF;
	s21 =	sshll.u32 s6, $0x1;
	s3 =	sadd.s32 s4, s19  }
0x9c: {  	s7 =	simm.s32 $0x0;
	s20 =	sshll.u32 s5, $0x1;
	s5 =	sadd.s32 s21, s3  }
0x9d: {  	[timem:s7], [sflag:s22] =	dma.local [hbm:s5], s20  }
0x9e: {  	_ =	swait.ge [sflag:s22], s20  }
0x9f: {  	s4 =	ssub.s32 $0x0, s20;
	[sflag:s22] =	ssyncset.done $0x0  }
0xa0: {  	[sflag:s22] =	ssyncadd.s32 s4;
	_ =	sdelay $0x1  }
0xa1: {  	s23 =	simm.s32 $0x1B8B  }
0xa2: {  	_ =	swait.ge [sflag:s23], $0x1  }
0xa3: {  	[sflag:s23] =	ssyncset.done $0x0  }
0xa4: {  	s25 =	simm.s32 $0x1B8E;
	s24 =	sld [smem:$0x3FFE];
	[sflag:s23] =	ssyncadd.s32 $0xFFFFFFFF  }
0xa5: {  	s26 =	simm.s32 $execute0_lowered;
	[smem:$0x3FD2] =	sst s25  }
0xa6: {  	s5 =	sshll.u32 s26, $0x1;
	_ =	strace $0x80000049;
	[dreg:$0x1] =	wrdreg $0xFFFFFFFF  }
0xa7: {  	s28 =	simm.s32 $_size_execute0_lowered;
	s3 =	sadd.s32 s3, s5;
	[dreg:$0x0] =	wrdreg $0x0  }
0xa8: {  	s5 =	sshll.u32 s28, $0x1;
	[dreg:$0x2] =	wrdreg s3  }
0xa9: {  	[dreg:$0x3] =	wrdreg s5  }
0xaa: {  	[dreg:$0x4] =	wrdreg $0xC0  }
0xab: {  	_ =	task [dreg:s7], $0x5FFFF  }
0xac: {  	[dreg:$0x1] =	wrdreg $0xFFFFFFFF  }
0xad: {  	[dreg:$0x0] =	wrdreg $0x60  }
0xae: {  	[dreg:$0x2] =	wrdreg s2  }
0xaf: {  	[dreg:$0x3] =	wrdreg s24  }
0xb0: {  	[dreg:$0x4] =	wrdreg $0x49000  }
0xb1: {  	[dreg:$0x5] =	wrdreg $0x9  }
0xb2: {  	_ =	task.clear_ibuf [dreg:s7], $0x6FFFF;
	_ =	strace $0x90000049  }
0xb3: {  	s29 =	simm.s32 $0x9;
	_ =	strace $0x8000004B  }
0xb4: {  	_ =	swait.ge [sflag:s29], $0x1  }
0xb5: {  	[sflag:s29] =	ssyncadd.s32 $0xFFFFFFFF  }
0xb6: {  	_ =	strace $0x9000004B  }
0xb7: {  	_ =	sfence  }
0xb8: {  	s30 =	sld [smem:$0x0];
	_ =	sdelay $0x2  }
0xb9: {  	s31 =	sshll.u32 s1, $0xD;
	s1 =	sshrl.u32 s1, $0x2  }
0xba: {  	s3 =	sand.u32 $0x4000, s31;
	s1 =	sadd.s32 s1, s30  }
0xbb: {  	s0 =	sor.u32 s3, s0;
	s1 =	sshll.u32 s1, $0x11  }
0xbc: {  	s0 =	sor.u32 s1, s0  }
0xbd: {  	s0 =	sadd.s32 $0x8F2B, s0  }
0xbe: {  	[sflag:s0] =	ssyncadd.remote.s32 $0x1  }
0xbf: {  	_ =	sfence.sel $0xFFFF  }
0xc0: {  	[dreg:$0x0] =	wrdreg $0xFFFFFFFF;
	(pc) =	sbr.abs _section_cstart, $3  }
0xc1: {  	[dreg:$0x1] =	wrdreg $0xFFFFFFFF  }
0xc2: {  	_ =	task.clear_ibuf [dreg:s7], $0x2FFFF;
	_ =	strace $0x9FFFFFFF  }
0xc3: {  	(tm) =	ssettm $0x7FFFFFFF  }
tec
execute0_lowered:
.L_overlay_start_1:
0x0: {  	(tag) =	ssettag $0x1  }
0x1: {  	s1 =	rddreg [dreg:$0x0]  }
0x2: {  	s0 =	srdreg.scid;
	s6 =	rddreg [dreg:$0x1]  }
0x3: {  	s3 =	rddreg [dreg:$0x2];
	s7 =	sand.u32 $0x1, s0  }
0x4: {  	s0 =	stileid.u32;
	s5 =	smul.u32 $0x4F000, s7  }
0x5: {  	s2 =	rddreg [dreg:$0x3];
	s8 =	smul.u32 $0x4F00, s0  }
0x6: {  	s4 =	simm.s32 $0x0;
	s14 =	simm.s32 $0x1;
	s9 =	smul.u32 $0x16140, s0  }
0x7: {  	s15 =	simm.s32 $0x0;
	[smem:$0x7FF] =	sst s4;
	s30 =	smul.u32 $0x161400, s7  }
0x8: {  	_ =	strace $0x8000004A;
	s7 =	ssub.s32 $0x2, s7;
	s11 =	sshll.u32 s0, $0x6  }
0x9: {  	s31 =	sshrl.u32 s7, $0x1;
	s5 =	sadd.s32 s8, s5;
	s8 =	sadd.s32 s9, s30  }
0xa: {  	s12 =	ssub.s32 s7, s31;
	s13 =	sadd.s32 s9, s3;
	s5 =	sshrl.u32 s5, $0x3  }
0xb: {  	s8 =	sshrl.u32 s8, $0x3;
	s10 =	sadd.s32 s5, s6;
	s5 =	sadd.s32 $0x41200, s6  }
0xc: {  	s8 =	sadd.s32 s8, s6;
	s6 =	sor.u32 $0x1C02, s11;
	s11 =	simm.s32 $0x2  }
0xd: {  	s7 =	sadd.s32 $0x44000, s8;
	s8 =	smax.u32 s12, $0x1;
	s9 =	sadd.s32 $0x2D600, s10  }
0xe: {  	s10 =	sshrl.u32 s13, $0x3;
	s12 =	simm.s32 $0x80;
	s13 =	simm.s32 $0x100  }
.LBB2_1:
0xf: {  	[spmem:s10], [sflag:s6] =	dma.local [hbm:s5], $0x2C28  }
0x10: {  	_ =	swait.ge [sflag:s11], $0x2C28  }
0x11: {  	[sflag:s11] =	ssyncset.done $0x0  }
0x12: {  	[sflag:s11] =	ssyncadd.s32 $0xFFFFD3D8  }
0x13: {  	s16 =	sadd.s32 $0x0, s9;
	[bflag:$0x0] =	sbarrier.arrive $0xFFFF  }
0x14: {  	[tilespmem:s4], [sflag:$0x2] =	stream.linear.gather [hbm4b:s16+s4], $0x100, $0x38;
	[tilespmem:$0x1AA40] =	vst v63  }
0x15: {  	_ =	swait.ge [sflag:s11], $0x100  }
0x16: {  	[sflag:s11] =	ssyncset.done $0x0  }
0x17: {  	[sflag:s11] =	ssyncadd.s32 $0xFFFFFF00  }
0x18: {  	[tilespmem:s13], [sflag:$0x1] =	stream.indirect.gather [hbm4b:s1+s12], $0x90, s4, s12, $0xb8;
	[tilespmem:$0x1AA40] =	vst v63  }
0x19: {  	_ =	swait.ge [sflag:s14], $0x4800  }
0x1a: {  	[sflag:s14] =	ssyncset.done $0x0  }
0x1b: {  	[sflag:s14] =	ssyncadd.s32 $0xFFFFB800  }
0x1c: {  	[spmem:s3] =	stream.indirect.scatter.add.f32 [tilespmem:s13], [sflag:$0x2], $0x90, s12, s12, $0xb8;
	[tilespmem:$0x1AA40] =	vst v63  }
0x1d: {  	_ =	swait.ge [sflag:s11], $0x4800  }
0x1e: {  	s17 =	simm.s32 $0x40;
	s16 =	simm.s32 $0x20;
	[sflag:s11] =	ssyncset.done $0x0  }
.LBB2_2:
0x1f: {  	s18 =	sadd.s32 s16, s9  }
0x20: {  	[sflag:s11] =	ssyncadd.s32 $0xFFFFB800;
	s16 =	smov.u32 s17;
	s19 =	sadd.s32 $0x20, s17  }
0x21: {  	[tilespmem:s4], [sflag:$0x2] =	stream.linear.gather [hbm4b:s18+s4], $0x100, $0x38;
	[tilespmem:$0x1AA40] =	vst v63  }
0x22: {  	p0 =	sne.s32 s17, $0x9C0;
	_ =	swait.ge [sflag:s11], $0x100  }
0x23: {  	[sflag:s11] =	ssyncset.done $0x0  }
0x24: {  	[sflag:s11] =	ssyncadd.s32 $0xFFFFFF00  }
0x25: {  	[tilespmem:s13], [sflag:$0x1] =	stream.indirect.gather [hbm4b:s1+s12], $0x90, s4, s12, $0xb8;
	[tilespmem:$0x1AA40] =	vst v63  }
0x26: {  	_ =	swait.ge [sflag:s14], $0x4800  }
.Ltmp0:
0x27: {  	[sflag:s14] =	ssyncset.done $0x0;
	(pc) =	sbr.rel @p0 .LBB2_2-.Ltmp0, $4  }
0x28: {  	[sflag:s14] =	ssyncadd.s32 $0xFFFFB800  }
0x29: {  	[spmem:s3] =	stream.indirect.scatter.add.f32 [tilespmem:s13], [sflag:$0x2], $0x90, s12, s12, $0xb8;
	[tilespmem:$0x1AA40] =	vst v63  }
0x2a: {  	_ =	swait.ge [sflag:s11], $0x4800  }
0x2b: {  	s17 =	smov.u32 s19;
	[sflag:s11] =	ssyncset.done $0x0  }
0x2c: {  	s16 =	sadd.s32 s16, s9;
	[sflag:s11] =	ssyncadd.s32 $0xFFFFB800  }
0x2d: {  	[tilespmem:s4], [sflag:$0x2] =	stream.linear.gather [hbm4b:s16+s4], $0x100, $0x38;
	[tilespmem:$0x1AA40] =	vst v63  }
0x2e: {  	_ =	swait.ge [sflag:s11], $0x100  }
0x2f: {  	[sflag:s11] =	ssyncset.done $0x0  }
0x30: {  	[sflag:s11] =	ssyncadd.s32 $0xFFFFFF00  }
0x31: {  	[tilespmem:s13], [sflag:$0x1] =	stream.indirect.gather [hbm4b:s1+s12], $0x90, s4, s12, $0xb8;
	[tilespmem:$0x1AA40] =	vst v63  }
0x32: {  	_ =	swait.ge [sflag:s14], $0x4800  }
0x33: {  	[sflag:s14] =	ssyncset.done $0x0  }
0x34: {  	[sflag:s14] =	ssyncadd.s32 $0xFFFFB800  }
0x35: {  	[spmem:s3] =	stream.indirect.scatter.add.f32 [tilespmem:s13], [sflag:$0x2], $0x90, s12, s12, $0xb8;
	[tilespmem:$0x1AA40] =	vst v63  }
0x36: {  	_ =	swait.ge [sflag:s11], $0x4800  }
0x37: {  	s15 =	sadd.s32 $0x1, s15;
	[sflag:s11] =	ssyncset.done $0x0  }
0x38: {  	p0 =	sne.s32 s15, s8;
	[sflag:s11] =	ssyncadd.s32 $0xFFFFB800  }
.Ltmp1:
0x39: {  	[bflag:$0x0] =	sbarrier.arrive $0xFFFF;
	(pc) =	sbr.rel @p0 .LBB2_1-.Ltmp1, $4  }
0x3a: {  	[hbm:s7], [sflag:s6] =	dma.local [spmem:s10], $0x2C28  }
0x3b: {  	_ =	swait.ge [sflag:s11], $0x2C28  }
0x3c: {  	[sflag:s11] =	ssyncset.done $0x0  }
0x3d: {  	[sflag:s11] =	ssyncadd.s32 $0xFFFFD3D8  }
0x3e: {  	_ =	sfence.sel $0x180000  }
0x3f: {  	[bflag:$0x0] =	sbarrier.arrive $0xFFFF  }
0x40: {  	p0 =	sne.s32 s0, $0x0;
	_ =	strace $0x9000004A  }
0x41: {  	s0 =	sadd.s32 @!p0 $0x100000, s2;
	[bflag:$0x2] =	sbarrier.arrive $0xFFFF  }
0x42: {  	[sflag:s0] =	ssyncadd.tile.s32 @!p0 $0x1;
	_ =	shalt  }
.Lfunc_end2:
_tile_overlayer_lowered:
.L_overlay_start_2:
0x43: {  	(tag) =	ssettag $0x2  }
0x44: {  	s0 =	rddreg [dreg:$0x0];
	s2 =	stileid.u32  }
0x45: {  	s1 =	rddreg [dreg:$0x1];
	p0 =	sne.s32 s2, $0x0  }
0x46: {  	s3 =	rddreg [dreg:$0x2];
	[bflag:$0x3] =	sbarrier.arrive $0xFFFF;
	s2 =	simm.s32 @!p0 $0x1C02  }
0x47: {  	[timem:s3], [sflag:s2] =	dma.local @!p0 [hbm:s0], s1  }
0x48: {  	s0 =	simm.s32 @!p0 $0x2  }
0x49: {  	_ =	swait.ge @!p0 [sflag:s0], s1  }
0x4a: {  	s1 =	ssub.s32 @!p0 $0x0, s1;
	[sflag:s0] =	ssyncset.done @!p0 $0x0  }
0x4b: {  	[sflag:s0] =	ssyncadd.s32 @!p0 s1  }
0x4c: {  	[bflag:$0x3] =	sbarrier.arrive $0xFFFF  }
0x4d: {  	_ =	shalt  }

// kernel: kernel.7.cloned.1.call-start
scs
__scs_entry_jumppad:
0x0: {  	(pc) =	sbr.rel $0x88, $3  }
0x1: {  	(tag) =	ssettag $0x0;
	lr =	simm.s32 $0x1  }
0x2: {  	[smem:$0x3F9C] =	sst lr;
	_ =	strace $0xD0000000  }
0x3: {  	_ = 	snop  }
0x4: {  	_ = 	snop  }
0x5: {  	_ = 	snop  }
0x6: {  	_ = 	snop  }
0x7: {  	_ = 	snop  }
__scs_overlays_trampoline_lowered:
0x8: {  	[smem:$0x3FAB] =	sst s0  }
0x9: {  	[smem:$0x3FAC] =	sst s1  }
0xa: {  	[smem:$0x3FAD] =	sst s2  }
0xb: {  	[smem:$0x3FAE] =	sst s3  }
0xc: {  	[smem:$0x3FAF] =	sst s4  }
0xd: {  	[smem:$0x3FB0] =	sst s5  }
0xe: {  	[smem:$0x3FB1] =	sst s6  }
0xf: {  	[smem:$0x3FB2] =	sst s7  }
0x10: {  	[smem:$0x3FB3] =	sst s8  }
0x11: {  	[smem:$0x3FB4] =	sst s9;
	s0 =	simm.s32 @!p0 $0x0  }
0x12: {  	s1 =	sld [smem:$0x3F9A];
	s0 =	simm.s32 @p0 $0x1  }
0x13: {  	[smem:$0x3FB5] =	sst s0;
	s0 =	simm.s32 @!p1 $0x0  }
0x14: {  	s2 =	sld [smem:$0x3F99];
	s0 =	simm.s32 @p1 $0x1  }
0x15: {  	[smem:$0x3FB6] =	sst s0;
	s0 =	simm.s32 @!p2 $0x0  }
0x16: {  	s3 =	sld [smem:$0x3FDB];
	s0 =	simm.s32 @p2 $0x1  }
0x17: {  	s4 =	simm.s32 $0x1BF5;
	[smem:$0x3FB8] =	sst s0  }
0x18: {  	s0 =	sld [smem:$0x3F9B];
	_ =	swait.ge [sflag:s4], $0x0  }
0x19: {  	s7 =	sld [smem:$0x3F9C]  }
0x1a: {  	s8 =	sadd.s32 $0xFFFFE003, lr  }
0x1b: {  	s9 =	sadd.s32 $0xFFFFFEF7, lr;
	s5 =	simm.s32 $0xFFFFFFFF;
	p2 =	slt.u32 s8, $0xFFFFF086  }
0x1c: {  	p1 =	slt.u32 s9, $0xF7A;
	s5 =	simm.s32 @!p2 $0x0  }
0x1d: {  	s5 =	simm.s32 @p1 $0x1;
	p0 =	seq.s32 s7, s2  }
0x1e: {  	s7 =	smul.u32 @!p0 $0xF7A, s2;
	p2 =	seq.s32 @!p0 s5, $0x0  }
0x1f: {  	s9 =	smul.u32 $0xF7A, s1;
	s8 =	simm.s32 @!p0 $0x1BF5;
	p2 =	por !p2, p0  }
0x20: {  	[sflag:s8] =	ssyncset.s32 @!p0 $0xFFFFF086;
	s6 =	sadd.s32 @!p0 s3, s7;
	s7 =	simm.s32 @!p0 $0x108  }
0x21: {  	s3 =	sadd.s32 s3, s9;
	s6 =	sadd.s32 @!p0 $0x88, s6;
	s7 =	simm.s32 @p2 $0x1082  }
0x22: {  	[simem:s7], [sflag:s8] =	dma.local @!p0 [hbm:s6], $0xF7A  }
0x23: {  	s9 =	sor.u32 $0xD0000000, s2;
	s6 =	simm.s32 $0x108;
	_ =	swait.ge @!p0 [sflag:s8], $0x0  }
0x24: {  	s3 =	sadd.s32 $0x88, s3;
	s6 =	simm.s32 @!p1 $0x1082;
	[sflag:s4] =	ssyncset.s32 $0xFFFFF086  }
0x25: {  	[simem:s6], [sflag:s4] =	dma.local [hbm:s3], $0xF7A  }
0x26: {  	[smem:$0x3F9C] =	sst s1;
	(tag) =	ssettag s2;
	_ =	strace s9  }
0x27: {  	s1 =	sld [smem:$0x3FAC]  }
0x28: {  	s2 =	sld [smem:$0x3FAD]  }
0x29: {  	s4 =	sld [smem:$0x3FAF]  }
0x2a: {  	p0 =	seq.s32 s5, $0x0;
	s5 =	sld [smem:$0x3FB0]  }
0x2b: {  	s6 =	sld [smem:$0x3FB1]  }
0x2c: {  	s7 =	sld [smem:$0x3FB2]  }
0x2d: {  	s3 =	simm.s32 $0x108;
	s8 =	sld [smem:$0x3FB3]  }
0x2e: {  	s3 =	simm.s32 @!p0 $0x1082;
	s9 =	sld [smem:$0x3FB4]  }
0x2f: {  	lr =	sadd.s32 s0, s3;
	s0 =	sld [smem:$0x3FAB]  }
0x30: {  	s3 =	sld [smem:$0x3FAE]  }
0x31: {  	[smem:$0x3FB7] =	sst s10  }
0x32: {  	s10 =	sld [smem:$0x3FB5];
	_ =	sdelay $0x3  }
0x33: {  	p0 =	seq.s32 s10, $0x1;
	s10 =	sld [smem:$0x3FB7];
	_ =	sdelay $0x3  }
0x34: {  	[smem:$0x3FB7] =	sst s10  }
0x35: {  	s10 =	sld [smem:$0x3FB6];
	_ =	sdelay $0x3  }
0x36: {  	p1 =	seq.s32 s10, $0x1;
	s10 =	sld [smem:$0x3FB7];
	_ =	sdelay $0x3  }
0x37: {  	[smem:$0x3FB7] =	sst s10  }
0x38: {  	s10 =	sld [smem:$0x3FB8]  }
0x39: {  	_ = 	snop;
	(pc) =	sbr.ind lr, $3  }
0x3a: {  	_ = 	snop  }
0x3b: {  	_ = 	snop  }
0x3c: {  	p2 =	seq.s32 s10, $0x1;
	s10 =	sld [smem:$0x3FB7]  }
0x3d: {  	_ =	shalt  }
0x3e: {  	_ =	shalt  }
0x3f: {  	_ =	shalt  }
0x40: {  	_ =	shalt  }
0x41: {  	_ =	shalt  }
0x42: {  	_ =	shalt  }
0x43: {  	_ =	shalt  }
0x44: {  	_ =	shalt  }
0x45: {  	_ =	shalt  }
0x46: {  	_ =	shalt  }
0x47: {  	_ =	shalt  }
0x48: {  	_ =	shalt  }
0x49: {  	_ =	shalt  }
0x4a: {  	_ =	shalt  }
0x4b: {  	_ =	shalt  }
0x4c: {  	_ =	shalt  }
0x4d: {  	_ =	shalt  }
0x4e: {  	_ =	shalt  }
0x4f: {  	_ =	shalt  }
0x50: {  	_ =	shalt  }
0x51: {  	_ =	shalt  }
0x52: {  	_ =	shalt  }
0x53: {  	_ =	shalt  }
0x54: {  	_ =	shalt  }
0x55: {  	_ =	shalt  }
0x56: {  	_ =	shalt  }
0x57: {  	_ =	shalt  }
0x58: {  	_ =	shalt  }
0x59: {  	_ =	shalt  }
0x5a: {  	_ =	shalt  }
0x5b: {  	_ =	shalt  }
0x5c: {  	_ =	shalt  }
0x5d: {  	_ =	shalt  }
0x5e: {  	_ =	shalt  }
0x5f: {  	_ =	shalt  }
0x60: {  	_ =	shalt  }
0x61: {  	_ =	shalt  }
0x62: {  	_ =	shalt  }
0x63: {  	_ =	shalt  }
0x64: {  	_ =	shalt  }
0x65: {  	_ =	shalt  }
0x66: {  	_ =	shalt  }
0x67: {  	_ =	shalt  }
0x68: {  	_ =	shalt  }
0x69: {  	_ =	shalt  }
0x6a: {  	_ =	shalt  }
0x6b: {  	_ =	shalt  }
0x6c: {  	_ =	shalt  }
0x6d: {  	_ =	shalt  }
0x6e: {  	_ =	shalt  }
0x6f: {  	_ =	shalt  }
0x70: {  	_ =	shalt  }
0x71: {  	_ =	shalt  }
0x72: {  	_ =	shalt  }
0x73: {  	_ =	shalt  }
0x74: {  	_ =	shalt  }
0x75: {  	_ =	shalt  }
0x76: {  	_ =	shalt  }
0x77: {  	_ =	shalt  }
0x78: {  	_ =	shalt  }
0x79: {  	_ =	shalt  }
0x7a: {  	_ =	shalt  }
0x7b: {  	_ =	shalt  }
0x7c: {  	_ =	shalt  }
0x7d: {  	_ =	shalt  }
0x7e: {  	_ =	shalt  }
0x7f: {  	_ =	shalt  }
0x80: {  	_ =	shalt  }
0x81: {  	_ =	shalt  }
0x82: {  	_ =	shalt  }
0x83: {  	_ =	shalt  }
0x84: {  	_ =	shalt  }
0x85: {  	_ =	shalt  }
0x86: {  	_ =	shalt  }
0x87: {  	_ =	shalt  }
.Lfunc_end0:
.L_simem_size_0:
called_computation_lowered:
.L_overlay_start_0:
0x88: {  	s2 =	sld [smem:$0x3FD9]  }
0x89: {  	s3 =	sld [smem:$0x3FFE];
	_ =	sdelay $0x1  }
0x8a: {  	s1 =	srdreg.scid  }
0x8b: {  	s0 =	sand.u32 $0x1, s1  }
0x8c: {  	s17 =	sshll.u32 s0, $0xA;
	s2 =	sadd.s32 s3, s2  }
0x8d: {  	s2 =	sadd.s32 s2, s17  }
0x8e: {  	[smem:$0x3FC3] =	sst s2  }
0x8f: {  	_ = 	snop  }
0x90: {  	s2 =	sld [smem:$0x3FD0];
	(tm) =	ssettm $0x1  }
0x91: {  	s18 =	sld [smem:$0x3FFB];
	_ =	sdelay $0x3  }
0x92: {  	_ =	strace s18  }
0x93: {  	s3 =	sld [smem:$0x3FFC];
	_ =	sdelay $0x3  }
0x94: {  	_ =	strace s3  }
0x95: {  	s3 =	sld [smem:$0x3FFD];
	_ =	sdelay $0x3  }
0x96: {  	_ =	strace s3  }
0x97: {  	_ =	strace $0x8FFFFFFF  }
0x98: {  	s19 =	sld [smem:$0x3FDB];
	_ =	sdelay $0x1  }
0x99: {  	s4 =	simm.s32 $_scs_section_size  }
0x9a: {  	s5 =	simm.s32 $_size__tile_overlayer_lowered;
	s6 =	simm.s32 $_tile_overlayer_lowered  }
0x9b: {  	s22 =	simm.s32 $0x1BFF;
	s21 =	sshll.u32 s6, $0x1;
	s3 =	sadd.s32 s4, s19  }
0x9c: {  	s7 =	simm.s32 $0x0;
	s20 =	sshll.u32 s5, $0x1;
	s5 =	sadd.s32 s21, s3  }
0x9d: {  	[timem:s7], [sflag:s22] =	dma.local [hbm:s5], s20  }
0x9e: {  	_ =	swait.ge [sflag:s22], s20  }
0x9f: {  	s4 =	ssub.s32 $0x0, s20;
	[sflag:s22] =	ssyncset.done $0x0  }
0xa0: {  	[sflag:s22] =	ssyncadd.s32 s4;
	_ =	sdelay $0x1  }
0xa1: {  	s23 =	simm.s32 $0x1B8B  }
0xa2: {  	_ =	swait.ge [sflag:s23], $0x1  }
0xa3: {  	[sflag:s23] =	ssyncset.done $0x0  }
0xa4: {  	s25 =	simm.s32 $0x1B8E;
	s24 =	sld [smem:$0x3FFE];
	[sflag:s23] =	ssyncadd.s32 $0xFFFFFFFF  }
0xa5: {  	s26 =	simm.s32 $execute0_lowered;
	[smem:$0x3FD2] =	sst s25  }
0xa6: {  	s5 =	sshll.u32 s26, $0x1;
	_ =	strace $0x80000046;
	[dreg:$0x1] =	wrdreg $0xFFFFFFFF  }
0xa7: {  	s28 =	simm.s32 $_size_execute0_lowered;
	s3 =	sadd.s32 s3, s5;
	[dreg:$0x0] =	wrdreg $0x0  }
0xa8: {  	s5 =	sshll.u32 s28, $0x1;
	[dreg:$0x2] =	wrdreg s3  }
0xa9: {  	[dreg:$0x3] =	wrdreg s5  }
0xaa: {  	[dreg:$0x4] =	wrdreg $0xC0  }
0xab: {  	_ =	task [dreg:s7], $0x5FFFF  }
0xac: {  	[dreg:$0x1] =	wrdreg $0xFFFFFFFF  }
0xad: {  	[dreg:$0x0] =	wrdreg $0x60  }
0xae: {  	[dreg:$0x2] =	wrdreg s24  }
0xaf: {  	[dreg:$0x3] =	wrdreg s2  }
0xb0: {  	[dreg:$0x4] =	wrdreg $0x49000  }
0xb1: {  	[dreg:$0x5] =	wrdreg $0x9  }
0xb2: {  	_ =	task.clear_ibuf [dreg:s7], $0x6FFFF;
	_ =	strace $0x90000046  }
0xb3: {  	s29 =	simm.s32 $0x9;
	_ =	strace $0x80000048  }
0xb4: {  	_ =	swait.ge [sflag:s29], $0x1  }
0xb5: {  	[sflag:s29] =	ssyncadd.s32 $0xFFFFFFFF  }
0xb6: {  	_ =	strace $0x90000048  }
0xb7: {  	_ =	sfence  }
0xb8: {  	s30 =	sld [smem:$0x0];
	_ =	sdelay $0x2  }
0xb9: {  	s31 =	sshll.u32 s1, $0xD;
	s1 =	sshrl.u32 s1, $0x2  }
0xba: {  	s3 =	sand.u32 $0x4000, s31;
	s1 =	sadd.s32 s1, s30  }
0xbb: {  	s0 =	sor.u32 s3, s0;
	s1 =	sshll.u32 s1, $0x11  }
0xbc: {  	s0 =	sor.u32 s1, s0  }
0xbd: {  	s0 =	sadd.s32 $0x8F2B, s0  }
0xbe: {  	[sflag:s0] =	ssyncadd.remote.s32 $0x1  }
0xbf: {  	_ =	sfence.sel $0xFFFF  }
0xc0: {  	[dreg:$0x0] =	wrdreg $0xFFFFFFFF;
	(pc) =	sbr.abs _section_cstart, $3  }
0xc1: {  	[dreg:$0x1] =	wrdreg $0xFFFFFFFF  }
0xc2: {  	_ =	task.clear_ibuf [dreg:s7], $0x2FFFF;
	_ =	strace $0x9FFFFFFF  }
0xc3: {  	(tm) =	ssettm $0x7FFFFFFF  }
tec
execute0_lowered:
.L_overlay_start_1:
0x0: {  	(tag) =	ssettag $0x1  }
0x1: {  	s6 =	rddreg [dreg:$0x0]  }
0x2: {  	s9 =	rddreg [dreg:$0x1]  }
0x3: {  	s2 =	rddreg [dreg:$0x2]  }
0x4: {  	s0 =	rddreg [dreg:$0x3]  }
0x5: {  	s4 =	srdreg.scid;
	s1 =	stileid.u32  }
0x6: {  	s3 =	simm.s32 $0x0;
	s13 =	simm.s32 $0x100;
	s14 =	simm.s32 $0x1  }
0x7: {  	s15 =	simm.s32 $0x0;
	s5 =	sand.u32 $0x1, s4;
	s7 =	smul.u32 $0xB400, s1  }
0x8: {  	[smem:$0x7FF] =	sst s3;
	s4 =	sadd.s32 $0x1200, s6;
	s12 =	smul.u32 $0x4F00, s1  }
0x9: {  	s30 =	sshll.u32 s1, $0x6;
	s8 =	smul.u32 $0xB4000, s5;
	_ =	strace $0x80000047  }
0xa: {  	s10 =	smul.u32 $0x4F000, s5;
	s11 =	ssub.s32 $0x2, s5;
	s5 =	sadd.s32 $0x41200, s6  }
0xb: {  	s29 =	sshrl.u32 s11, $0x1;
	s31 =	sadd.s32 s7, s2;
	s8 =	sadd.s32 s7, s8  }
0xc: {  	s11 =	ssub.s32 s11, s29;
	s10 =	sadd.s32 s12, s10;
	s8 =	sshrl.u32 s8, $0x3  }
0xd: {  	s12 =	simm.s32 $0x80;
	s10 =	sshrl.u32 s10, $0x3;
	s8 =	sadd.s32 s8, s6  }
0xe: {  	s6 =	sor.u32 $0x1C02, s30;
	s9 =	sadd.s32 s10, s9;
	s10 =	sshrl.u32 s31, $0x3  }
0xf: {  	s7 =	sadd.s32 $0x44000, s8;
	s8 =	smax.u32 s11, $0x1;
	s11 =	simm.s32 $0x2  }
.LBB2_1:
0x10: {  	[spmem:s10], [sflag:s6] =	dma.local [hbm:s5], $0x1680  }
0x11: {  	_ =	swait.ge [sflag:s11], $0x1680  }
0x12: {  	[sflag:s11] =	ssyncset.done $0x0  }
0x13: {  	[sflag:s11] =	ssyncadd.s32 $0xFFFFE980  }
0x14: {  	s16 =	sadd.s32 $0x0, s9;
	[bflag:$0x0] =	sbarrier.arrive $0xFFFF  }
0x15: {  	[tilespmem:s3], [sflag:$0x2] =	stream.linear.gather [hbm4b:s16+s3], $0x100, $0x38;
	[tilespmem:$0xFD00] =	vst v63  }
0x16: {  	_ =	swait.ge [sflag:s11], $0x100  }
0x17: {  	[sflag:s11] =	ssyncset.done $0x0  }
0x18: {  	[sflag:s11] =	ssyncadd.s32 $0xFFFFFF00  }
0x19: {  	[tilespmem:s13], [sflag:$0x1] =	stream.indirect.gather [hbm4b:s4+s12], $0x90, s3, s12, $0xb8;
	[tilespmem:$0xFD00] =	vst v63  }
0x1a: {  	_ =	swait.ge [sflag:s14], $0x4800  }
0x1b: {  	[sflag:s14] =	ssyncset.done $0x0  }
0x1c: {  	[sflag:s14] =	ssyncadd.s32 $0xFFFFB800  }
0x1d: {  	[spmem:s2] =	stream.indirect.scatter.add.f32 [tilespmem:s13], [sflag:$0x2], $0x90, s12, s12, $0xb8;
	[tilespmem:$0xFD00] =	vst v63  }
0x1e: {  	_ =	swait.ge [sflag:s11], $0x4800  }
0x1f: {  	s17 =	simm.s32 $0x40;
	s16 =	simm.s32 $0x20;
	[sflag:s11] =	ssyncset.done $0x0  }
.LBB2_2:
0x20: {  	s18 =	sadd.s32 s16, s9  }
0x21: {  	[sflag:s11] =	ssyncadd.s32 $0xFFFFB800;
	s16 =	smov.u32 s17;
	s19 =	sadd.s32 $0x20, s17  }
0x22: {  	[tilespmem:s3], [sflag:$0x2] =	stream.linear.gather [hbm4b:s18+s3], $0x100, $0x38;
	[tilespmem:$0xFD00] =	vst v63  }
0x23: {  	p0 =	sne.s32 s17, $0x9C0;
	_ =	swait.ge [sflag:s11], $0x100  }
0x24: {  	[sflag:s11] =	ssyncset.done $0x0  }
0x25: {  	[sflag:s11] =	ssyncadd.s32 $0xFFFFFF00  }
0x26: {  	[tilespmem:s13], [sflag:$0x1] =	stream.indirect.gather [hbm4b:s4+s12], $0x90, s3, s12, $0xb8;
	[tilespmem:$0xFD00] =	vst v63  }
0x27: {  	_ =	swait.ge [sflag:s14], $0x4800  }
.Ltmp0:
0x28: {  	[sflag:s14] =	ssyncset.done $0x0;
	(pc) =	sbr.rel @p0 .LBB2_2-.Ltmp0, $4  }
0x29: {  	[sflag:s14] =	ssyncadd.s32 $0xFFFFB800  }
0x2a: {  	[spmem:s2] =	stream.indirect.scatter.add.f32 [tilespmem:s13], [sflag:$0x2], $0x90, s12, s12, $0xb8;
	[tilespmem:$0xFD00] =	vst v63  }
0x2b: {  	_ =	swait.ge [sflag:s11], $0x4800  }
0x2c: {  	s17 =	smov.u32 s19;
	[sflag:s11] =	ssyncset.done $0x0  }
0x2d: {  	s16 =	sadd.s32 s16, s9;
	[sflag:s11] =	ssyncadd.s32 $0xFFFFB800  }
0x2e: {  	[tilespmem:s3], [sflag:$0x2] =	stream.linear.gather [hbm4b:s16+s3], $0x100, $0x38;
	[tilespmem:$0xFD00] =	vst v63  }
0x2f: {  	_ =	swait.ge [sflag:s11], $0x100  }
0x30: {  	[sflag:s11] =	ssyncset.done $0x0  }
0x31: {  	[sflag:s11] =	ssyncadd.s32 $0xFFFFFF00  }
0x32: {  	[tilespmem:s13], [sflag:$0x1] =	stream.indirect.gather [hbm4b:s4+s12], $0x90, s3, s12, $0xb8;
	[tilespmem:$0xFD00] =	vst v63  }
0x33: {  	_ =	swait.ge [sflag:s14], $0x4800  }
0x34: {  	[sflag:s14] =	ssyncset.done $0x0  }
0x35: {  	[sflag:s14] =	ssyncadd.s32 $0xFFFFB800  }
0x36: {  	[spmem:s2] =	stream.indirect.scatter.add.f32 [tilespmem:s13], [sflag:$0x2], $0x90, s12, s12, $0xb8;
	[tilespmem:$0xFD00] =	vst v63  }
0x37: {  	_ =	swait.ge [sflag:s11], $0x4800  }
0x38: {  	s15 =	sadd.s32 $0x1, s15;
	[sflag:s11] =	ssyncset.done $0x0  }
0x39: {  	p0 =	sne.s32 s15, s8;
	[sflag:s11] =	ssyncadd.s32 $0xFFFFB800  }
.Ltmp1:
0x3a: {  	[bflag:$0x0] =	sbarrier.arrive $0xFFFF;
	(pc) =	sbr.rel @p0 .LBB2_1-.Ltmp1, $4  }
0x3b: {  	[hbm:s7], [sflag:s6] =	dma.local [spmem:s10], $0x1680  }
0x3c: {  	_ =	swait.ge [sflag:s11], $0x1680  }
0x3d: {  	[sflag:s11] =	ssyncset.done $0x0  }
0x3e: {  	[sflag:s11] =	ssyncadd.s32 $0xFFFFE980  }
0x3f: {  	_ =	sfence.sel $0x180000  }
0x40: {  	[bflag:$0x0] =	sbarrier.arrive $0xFFFF  }
0x41: {  	p0 =	sne.s32 s1, $0x0;
	_ =	strace $0x90000047  }
0x42: {  	s0 =	sadd.s32 @!p0 $0x100000, s0;
	[bflag:$0x2] =	sbarrier.arrive $0xFFFF  }
0x43: {  	[sflag:s0] =	ssyncadd.tile.s32 @!p0 $0x1;
	_ =	shalt  }
.Lfunc_end2:
_tile_overlayer_lowered:
.L_overlay_start_2:
0x44: {  	(tag) =	ssettag $0x2  }
0x45: {  	s0 =	rddreg [dreg:$0x0];
	s2 =	stileid.u32  }
0x46: {  	s1 =	rddreg [dreg:$0x1];
	p0 =	sne.s32 s2, $0x0  }
0x47: {  	s3 =	rddreg [dreg:$0x2];
	[bflag:$0x3] =	sbarrier.arrive $0xFFFF;
	s2 =	simm.s32 @!p0 $0x1C02  }
0x48: {  	[timem:s3], [sflag:s2] =	dma.local @!p0 [hbm:s0], s1  }
0x49: {  	s0 =	simm.s32 @!p0 $0x2  }
0x4a: {  	_ =	swait.ge @!p0 [sflag:s0], s1  }
0x4b: {  	s1 =	ssub.s32 @!p0 $0x0, s1;
	[sflag:s0] =	ssyncset.done @!p0 $0x0  }
0x4c: {  	[sflag:s0] =	ssyncadd.s32 @!p0 s1  }
0x4d: {  	[bflag:$0x3] =	sbarrier.arrive $0xFFFF  }
0x4e: {  	_ =	shalt  }

</sc_bundles>
